<compile_context>
chip_gen: v7x
topology: tpu7x:2x2x1
jax: 0.10.2.dev20260603
libtpu: 0.0.44.dev20260713+nightly
codegen_flags: <defaults>
</compile_context>

<pallas_src>
import functools

import jax
import jax.numpy as jnp
from jax import lax
from jax.experimental import pallas as pl
from jax.experimental.pallas import tpu as pltpu
from jax.experimental.pallas import tpu_sc as plsc

_ROWS, _COLS = 128, 100000
_LANES = 16
_NV = _COLS // _LANES
_NW = 32
_ROWS_PER_W = _ROWS // _NW

_mesh = plsc.VectorSubcoreMesh(core_axis_name="c", subcore_axis_name="s")


@functools.partial(
    pl.kernel,
    out_type=jax.ShapeDtypeStruct((_ROWS, _COLS), jnp.float32),
    mesh=_mesh,
    scratch_types=[
        pltpu.VMEM((_COLS,), jnp.float32),
        pltpu.SemaphoreType.DMA,
        pltpu.SemaphoreType.DMA,
    ],
    compiler_params=pltpu.CompilerParams(needs_layout_passes=False),
)
def _sc_log_softmax(x_hbm, o_hbm, buf, sem_in, sem_out):
    wid = lax.axis_index("s") * 2 + lax.axis_index("c")

    for j in range(_ROWS_PER_W):
        row = wid * _ROWS_PER_W + j
        pltpu.async_copy(x_hbm.at[row], buf, sem_in).wait()

        def max_body(i, m16):
            return jnp.maximum(m16, buf[pl.ds(i * _LANES, _LANES)])

        m16 = lax.fori_loop(
            0, _NV, max_body, jnp.full((_LANES,), -jnp.inf, jnp.float32),
            unroll=5,
        )
        m = jnp.max(m16)
        mb = jnp.full((_LANES,), m, jnp.float32)

        def sum_body(i, s16):
            return s16 + jnp.exp(buf[pl.ds(i * _LANES, _LANES)] - mb)

        s16 = lax.fori_loop(
            0, _NV, sum_body, jnp.zeros((_LANES,), jnp.float32), unroll=5
        )
        s = jnp.sum(s16)

        sv = jnp.full((_LANES,), s, jnp.float32)
        bits = plsc.bitcast(sv, jnp.int32)
        y = (bits.astype(jnp.float32) * (1.0 / 8388608.0)
             - 126.95699) * 0.6931471805599453
        for _ in range(4):
            y = y + sv * jnp.exp(-y) - 1.0
        lse = y + mb

        def sub_body(i, carry):
            sl = pl.ds(i * _LANES, _LANES)
            buf[sl] = buf[sl] - lse
            return carry

        lax.fori_loop(0, _NV, sub_body, 0, unroll=5)
        pltpu.async_copy(buf, o_hbm.at[row], sem_out).wait()


def kernel(logits):
    return _sc_log_softmax(logits)

# --- scband reference (transcript-rebuilt; emitter-appended) ---
"""Pipeline reference for scband-softmax-categorical-head-7533372637258 (READ-ONLY COPY).

The authoritative reference and input builder live on the scoring server;
editing this copy changes nothing except your own understanding.
"""

import jax, jax.numpy as jnp
import numpy as np


def setup_inputs(seed: int = 0) -> dict:
    key = jax.random.key(seed)
    logits = jax.random.normal(key, (128, 100000), dtype=jnp.float32)
    return {"logits": logits}


def reference(logits):
    # torch.distributions.Categorical(logits=logits) canonically normalizes logits:
    #   logits_normalized = logits - logsumexp(logits, axis=-1, keepdims=True)
    # which is exactly log_softmax. We return the normalized log-probs, the core
    # computation the distribution object materializes.
    log_probs = logits - jax.scipy.special.logsumexp(logits, axis=-1, keepdims=True)
    return log_probs

if __name__ == "__main__":
    import jax
    _d = setup_inputs()
    print(jax.jit(kernel)(*tuple(_d.values())))

</pallas_src>

<mosaic_0001>
#map = affine_map<(d0, d1) -> (0, 0)>
module attributes {stable_mosaic.version = 14 : i64} {
  func.func @_sc_log_softmax(%arg0: i32, %arg1: i32, %arg2: memref<128x100000xf32, #tpu.memory_space<hbm>>, %arg3: memref<128x100000xf32, #tpu.memory_space<hbm>>, %arg4: memref<100000xf32, #tpu.memory_space<vmem>>, %arg5: memref<!tpu.dma_semaphore, #tpu.memory_space<semaphore_mem>>, %arg6: memref<!tpu.dma_semaphore, #tpu.memory_space<semaphore_mem>>) attributes {dimension_semantics = [#tpu.dimension_semantics<core_parallel>, #tpu.dimension_semantics<subcore_parallel>], iteration_bounds = array<i64: 2, 16>, scalar_prefetch = 0 : i64, scratch_operands = 3 : i64, tpu.core_type = #tpu.core_type<sc_vector_subcore>, window_params = [{transform_indices = #map}, {transform_indices = #map}]} {
    %mul3A = arith.constant 2 : i32
    %mul3A_0 = arith.muli %arg1, %mul3A : i32
    %add3A = arith.addi %mul3A_0, %arg0 : i32
    %mul3A_1 = arith.constant 4 : i32
    %mul3A_2 = arith.muli %add3A, %mul3A_1 : i32
    %add3A_3 = arith.constant 0 : i32
    %add3A_4 = arith.addi %mul3A_2, %add3A_3 : i32
    %dma_start3A = arith.constant 0 : i32
    %dma_start3A_5 = tpu.memref_slice %arg2[%add3A_4, %dma_start3A] : memref<128x100000xf32, #tpu.memory_space<hbm>> -> memref<1x100000xf32, #tpu.memory_space<hbm>>
    %dma_start3A_6 = tpu.memref_squeeze %dma_start3A_5 : memref<1x100000xf32, #tpu.memory_space<hbm>> -> memref<100000xf32, #tpu.memory_space<hbm>>
    %dma_start3A_7 = arith.constant 0 : i32
    %dma_start3A_8 = tpu.memref_slice %arg2[%add3A_4, %dma_start3A_7] : memref<128x100000xf32, #tpu.memory_space<hbm>> -> memref<1x100000xf32, #tpu.memory_space<hbm>>
    %dma_start3A_9 = tpu.memref_squeeze %dma_start3A_8 : memref<1x100000xf32, #tpu.memory_space<hbm>> -> memref<100000xf32, #tpu.memory_space<hbm>>
    tpu.enqueue_dma source(%dma_start3A_9 : memref<100000xf32, #tpu.memory_space<hbm>>) target(%arg4 : memref<100000xf32, #tpu.memory_space<vmem>>) target_semaphore(%arg5 : memref<!tpu.dma_semaphore, #tpu.memory_space<semaphore_mem>>)
    %dma_wait3A = arith.constant 0 : i32
    %dma_wait3A_10 = tpu.memref_slice %arg2[%add3A_4, %dma_wait3A] : memref<128x100000xf32, #tpu.memory_space<hbm>> -> memref<1x100000xf32, #tpu.memory_space<hbm>>
    %dma_wait3A_11 = tpu.memref_squeeze %dma_wait3A_10 : memref<1x100000xf32, #tpu.memory_space<hbm>> -> memref<100000xf32, #tpu.memory_space<hbm>>
    %dma_wait3A_12 = arith.constant 0 : i32
    %dma_wait3A_13 = tpu.memref_slice %arg2[%add3A_4, %dma_wait3A_12] : memref<128x100000xf32, #tpu.memory_space<hbm>> -> memref<1x100000xf32, #tpu.memory_space<hbm>>
    %dma_wait3A_14 = tpu.memref_squeeze %dma_wait3A_13 : memref<1x100000xf32, #tpu.memory_space<hbm>> -> memref<100000xf32, #tpu.memory_space<hbm>>
    tpu.wait_dma2 semaphore(%arg5 : memref<!tpu.dma_semaphore, #tpu.memory_space<semaphore_mem>>) src(%dma_wait3A_14 : memref<100000xf32, #tpu.memory_space<hbm>>) dst(%arg4 : memref<100000xf32, #tpu.memory_space<vmem>>)
    %broadcast_in_dim3A = arith.constant 0xFF800000 : f32
    %broadcast_in_dim3A_15 = vector.broadcast %broadcast_in_dim3A : f32 to vector<16xf32>
    %scan3A = arith.constant 0 : i32
    %scan3A_16 = arith.constant 6250 : i32
    %scan3A_17 = arith.addi %scan3A, %scan3A_16 : i32
    %scan3A_18 = arith.constant 5 : i32
    %scan3A_19 = scf.for %scan3A_422 = %scan3A to %scan3A_17 step %scan3A_18 iter_args(%scan3A_423 = %broadcast_in_dim3A_15) -> (vector<16xf32>)  : i32 {
      %mul3A_424 = arith.constant 16 : i32
      %mul3A_425 = arith.muli %scan3A_422, %mul3A_424 : i32
      %get3A = arith.index_cast %mul3A_425 : i32 to index
      %get3A_426 = tpu.vector_load %arg4[%get3A] {strides = array<i32>} : memref<100000xf32, #tpu.memory_space<vmem>>, vector<16xf32>,
      %max3A = arith.maximumf %scan3A_423, %get3A_426 : vector<16xf32>
      %scan3A_427 = arith.constant 1 : i32
      %scan3A_428 = arith.addi %scan3A_422, %scan3A_427 : i32
      %mul3A_429 = arith.constant 16 : i32
      %mul3A_430 = arith.muli %scan3A_428, %mul3A_429 : i32
      %get3A_431 = arith.index_cast %mul3A_430 : i32 to index
      %get3A_432 = tpu.vector_load %arg4[%get3A_431] {strides = array<i32>} : memref<100000xf32, #tpu.memory_space<vmem>>, vector<16xf32>,
      %max3A_433 = arith.maximumf %max3A, %get3A_432 : vector<16xf32>
      %scan3A_434 = arith.constant 2 : i32
      %scan3A_435 = arith.addi %scan3A_422, %scan3A_434 : i32
      %mul3A_436 = arith.constant 16 : i32
      %mul3A_437 = arith.muli %scan3A_435, %mul3A_436 : i32
      %get3A_438 = arith.index_cast %mul3A_437 : i32 to index
      %get3A_439 = tpu.vector_load %arg4[%get3A_438] {strides = array<i32>} : memref<100000xf32, #tpu.memory_space<vmem>>, vector<16xf32>,
      %max3A_440 = arith.maximumf %max3A_433, %get3A_439 : vector<16xf32>
      %scan3A_441 = arith.constant 3 : i32
      %scan3A_442 = arith.addi %scan3A_422, %scan3A_441 : i32
      %mul3A_443 = arith.constant 16 : i32
      %mul3A_444 = arith.muli %scan3A_442, %mul3A_443 : i32
      %get3A_445 = arith.index_cast %mul3A_444 : i32 to index
      %get3A_446 = tpu.vector_load %arg4[%get3A_445] {strides = array<i32>} : memref<100000xf32, #tpu.memory_space<vmem>>, vector<16xf32>,
      %max3A_447 = arith.maximumf %max3A_440, %get3A_446 : vector<16xf32>
      %scan3A_448 = arith.constant 4 : i32
      %scan3A_449 = arith.addi %scan3A_422, %scan3A_448 : i32
      %mul3A_450 = arith.constant 16 : i32
      %mul3A_451 = arith.muli %scan3A_449, %mul3A_450 : i32
      %get3A_452 = arith.index_cast %mul3A_451 : i32 to index
      %get3A_453 = tpu.vector_load %arg4[%get3A_452] {strides = array<i32>} : memref<100000xf32, #tpu.memory_space<vmem>>, vector<16xf32>,
      %max3A_454 = arith.maximumf %max3A_447, %get3A_453 : vector<16xf32>
      scf.yield %max3A_454 : vector<16xf32>
    }
    %scan3A_20 = arith.constant 6250 : i32
    %reduce_max3A = arith.constant true
    %reduce_max3A_21 = vector.broadcast %reduce_max3A : i1 to vector<16xi1>
    %reduce_max3A_22 = tpu.scan <max>, %scan3A_19 masked %reduce_max3A_21 : vector<16xf32>, vector<16xi1> -> vector<16xf32>
    %reduce_max3A_23 = vector.extract %reduce_max3A_22[15] : f32 from vector<16xf32>
    %broadcast_in_dim3A_24 = vector.broadcast %reduce_max3A_23 : f32 to vector<16xf32>
    %broadcast_in_dim3A_25 = arith.constant 0.000000e+00 : f32
    %broadcast_in_dim3A_26 = vector.broadcast %broadcast_in_dim3A_25 : f32 to vector<16xf32>
    %scan3A_27 = arith.constant 0 : i32
    %scan3A_28 = arith.constant 6250 : i32
    %scan3A_29 = arith.addi %scan3A_27, %scan3A_28 : i32
    %scan3A_30 = arith.constant 5 : i32
    %scan3A_31 = scf.for %scan3A_422 = %scan3A_27 to %scan3A_29 step %scan3A_30 iter_args(%scan3A_423 = %broadcast_in_dim3A_26) -> (vector<16xf32>)  : i32 {
      %mul3A_424 = arith.constant 16 : i32
      %mul3A_425 = arith.muli %scan3A_422, %mul3A_424 : i32
      %get3A = arith.index_cast %mul3A_425 : i32 to index
      %get3A_426 = tpu.vector_load %arg4[%get3A] {strides = array<i32>} : memref<100000xf32, #tpu.memory_space<vmem>>, vector<16xf32>,
      %sub3A_427 = arith.subf %get3A_426, %broadcast_in_dim3A_24 : vector<16xf32>
      %exp3A_428 = math.exp %sub3A_427 : vector<16xf32>
      %add3A_429 = arith.addf %scan3A_423, %exp3A_428 : vector<16xf32>
      %scan3A_430 = arith.constant 1 : i32
      %scan3A_431 = arith.addi %scan3A_422, %scan3A_430 : i32
      %mul3A_432 = arith.constant 16 : i32
      %mul3A_433 = arith.muli %scan3A_431, %mul3A_432 : i32
      %get3A_434 = arith.index_cast %mul3A_433 : i32 to index
      %get3A_435 = tpu.vector_load %arg4[%get3A_434] {strides = array<i32>} : memref<100000xf32, #tpu.memory_space<vmem>>, vector<16xf32>,
      %sub3A_436 = arith.subf %get3A_435, %broadcast_in_dim3A_24 : vector<16xf32>
      %exp3A_437 = math.exp %sub3A_436 : vector<16xf32>
      %add3A_438 = arith.addf %add3A_429, %exp3A_437 : vector<16xf32>
      %scan3A_439 = arith.constant 2 : i32
      %scan3A_440 = arith.addi %scan3A_422, %scan3A_439 : i32
      %mul3A_441 = arith.constant 16 : i32
      %mul3A_442 = arith.muli %scan3A_440, %mul3A_441 : i32
      %get3A_443 = arith.index_cast %mul3A_442 : i32 to index
      %get3A_444 = tpu.vector_load %arg4[%get3A_443] {strides = array<i32>} : memref<100000xf32, #tpu.memory_space<vmem>>, vector<16xf32>,
      %sub3A_445 = arith.subf %get3A_444, %broadcast_in_dim3A_24 : vector<16xf32>
      %exp3A_446 = math.exp %sub3A_445 : vector<16xf32>
      %add3A_447 = arith.addf %add3A_438, %exp3A_446 : vector<16xf32>
      %scan3A_448 = arith.constant 3 : i32
      %scan3A_449 = arith.addi %scan3A_422, %scan3A_448 : i32
      %mul3A_450 = arith.constant 16 : i32
      %mul3A_451 = arith.muli %scan3A_449, %mul3A_450 : i32
      %get3A_452 = arith.index_cast %mul3A_451 : i32 to index
      %get3A_453 = tpu.vector_load %arg4[%get3A_452] {strides = array<i32>} : memref<100000xf32, #tpu.memory_space<vmem>>, vector<16xf32>,
      %sub3A_454 = arith.subf %get3A_453, %broadcast_in_dim3A_24 : vector<16xf32>
      %exp3A_455 = math.exp %sub3A_454 : vector<16xf32>
      %add3A_456 = arith.addf %add3A_447, %exp3A_455 : vector<16xf32>
      %scan3A_457 = arith.constant 4 : i32
      %scan3A_458 = arith.addi %scan3A_422, %scan3A_457 : i32
      %mul3A_459 = arith.constant 16 : i32
      %mul3A_460 = arith.muli %scan3A_458, %mul3A_459 : i32
      %get3A_461 = arith.index_cast %mul3A_460 : i32 to index
      %get3A_462 = tpu.vector_load %arg4[%get3A_461] {strides = array<i32>} : memref<100000xf32, #tpu.memory_space<vmem>>, vector<16xf32>,
      %sub3A_463 = arith.subf %get3A_462, %broadcast_in_dim3A_24 : vector<16xf32>
      %exp3A_464 = math.exp %sub3A_463 : vector<16xf32>
      %add3A_465 = arith.addf %add3A_456, %exp3A_464 : vector<16xf32>
      scf.yield %add3A_465 : vector<16xf32>
    }
    %scan3A_32 = arith.constant 6250 : i32
    %reduce_sum3A = arith.constant true
    %reduce_sum3A_33 = vector.broadcast %reduce_sum3A : i1 to vector<16xi1>
    %reduce_sum3A_34 = tpu.scan <sum>, %scan3A_31 masked %reduce_sum3A_33 : vector<16xf32>, vector<16xi1> -> vector<16xf32>
    %reduce_sum3A_35 = vector.extract %reduce_sum3A_34[15] : f32 from vector<16xf32>
    %broadcast_in_dim3A_36 = vector.broadcast %reduce_sum3A_35 : f32 to vector<16xf32>
    %bitcast3A = vector.bitcast %broadcast_in_dim3A_36 : vector<16xf32> to vector<16xi32>
    %convert_element_type3A = arith.sitofp %bitcast3A : vector<16xi32> to vector<16xf32>
    %mul3A_37 = arith.constant 1.1920929E-7 : f32
    %mul3A_38 = vector.broadcast %mul3A_37 : f32 to vector<16xf32>
    %mul3A_39 = arith.mulf %convert_element_type3A, %mul3A_38 : vector<16xf32>
    %sub3A = arith.constant 126.956993 : f32
    %sub3A_40 = vector.broadcast %sub3A : f32 to vector<16xf32>
    %sub3A_41 = arith.subf %mul3A_39, %sub3A_40 : vector<16xf32>
    %mul3A_42 = arith.constant 0.693147182 : f32
    %mul3A_43 = vector.broadcast %mul3A_42 : f32 to vector<16xf32>
    %mul3A_44 = arith.mulf %sub3A_41, %mul3A_43 : vector<16xf32>
    %neg3A = arith.constant 0.000000e+00 : f32
    %neg3A_45 = vector.broadcast %neg3A : f32 to vector<16xf32>
    %neg3A_46 = arith.subf %neg3A_45, %mul3A_44 : vector<16xf32>
    %exp3A = math.exp %neg3A_46 : vector<16xf32>
    %mul3A_47 = arith.mulf %broadcast_in_dim3A_36, %exp3A : vector<16xf32>
    %add3A_48 = arith.addf %mul3A_44, %mul3A_47 : vector<16xf32>
    %sub3A_49 = arith.constant 1.000000e+00 : f32
    %sub3A_50 = vector.broadcast %sub3A_49 : f32 to vector<16xf32>
    %sub3A_51 = arith.subf %add3A_48, %sub3A_50 : vector<16xf32>
    %neg3A_52 = arith.constant 0.000000e+00 : f32
    %neg3A_53 = vector.broadcast %neg3A_52 : f32 to vector<16xf32>
    %neg3A_54 = arith.subf %neg3A_53, %sub3A_51 : vector<16xf32>
    %exp3A_55 = math.exp %neg3A_54 : vector<16xf32>
    %mul3A_56 = arith.mulf %broadcast_in_dim3A_36, %exp3A_55 : vector<16xf32>
    %add3A_57 = arith.addf %sub3A_51, %mul3A_56 : vector<16xf32>
    %sub3A_58 = arith.constant 1.000000e+00 : f32
    %sub3A_59 = vector.broadcast %sub3A_58 : f32 to vector<16xf32>
    %sub3A_60 = arith.subf %add3A_57, %sub3A_59 : vector<16xf32>
    %neg3A_61 = arith.constant 0.000000e+00 : f32
    %neg3A_62 = vector.broadcast %neg3A_61 : f32 to vector<16xf32>
    %neg3A_63 = arith.subf %neg3A_62, %sub3A_60 : vector<16xf32>
    %exp3A_64 = math.exp %neg3A_63 : vector<16xf32>
    %mul3A_65 = arith.mulf %broadcast_in_dim3A_36, %exp3A_64 : vector<16xf32>
    %add3A_66 = arith.addf %sub3A_60, %mul3A_65 : vector<16xf32>
    %sub3A_67 = arith.constant 1.000000e+00 : f32
    %sub3A_68 = vector.broadcast %sub3A_67 : f32 to vector<16xf32>
    %sub3A_69 = arith.subf %add3A_66, %sub3A_68 : vector<16xf32>
    %neg3A_70 = arith.constant 0.000000e+00 : f32
    %neg3A_71 = vector.broadcast %neg3A_70 : f32 to vector<16xf32>
    %neg3A_72 = arith.subf %neg3A_71, %sub3A_69 : vector<16xf32>
    %exp3A_73 = math.exp %neg3A_72 : vector<16xf32>
    %mul3A_74 = arith.mulf %broadcast_in_dim3A_36, %exp3A_73 : vector<16xf32>
    %add3A_75 = arith.addf %sub3A_69, %mul3A_74 : vector<16xf32>
    %sub3A_76 = arith.constant 1.000000e+00 : f32
    %sub3A_77 = vector.broadcast %sub3A_76 : f32 to vector<16xf32>
    %sub3A_78 = arith.subf %add3A_75, %sub3A_77 : vector<16xf32>
    %add3A_79 = arith.addf %sub3A_78, %broadcast_in_dim3A_24 : vector<16xf32>
    %scan3A_80 = arith.constant 0 : i32
    %scan3A_81 = arith.constant 0 : i32
    %scan3A_82 = arith.constant 6250 : i32
    %scan3A_83 = arith.addi %scan3A_81, %scan3A_82 : i32
    %scan3A_84 = arith.constant 5 : i32
    scf.for %scan3A_422 = %scan3A_81 to %scan3A_83 step %scan3A_84  : i32 {
      %mul3A_423 = arith.constant 16 : i32
      %mul3A_424 = arith.muli %scan3A_422, %mul3A_423 : i32
      %get3A = arith.index_cast %mul3A_424 : i32 to index
      %get3A_425 = tpu.vector_load %arg4[%get3A] {strides = array<i32>} : memref<100000xf32, #tpu.memory_space<vmem>>, vector<16xf32>,
      %sub3A_426 = arith.subf %get3A_425, %add3A_79 : vector<16xf32>
      %swap3A = arith.index_cast %mul3A_424 : i32 to index
      %swap3A_427 = tpu.vector_load %arg4[%swap3A] {strides = array<i32>} : memref<100000xf32, #tpu.memory_space<vmem>>, vector<16xf32>,
      tpu.vector_store %arg4[%swap3A], %sub3A_426 {strides = array<i32>} : memref<100000xf32, #tpu.memory_space<vmem>>, vector<16xf32>,
      %scan3A_428 = arith.constant 1 : i32
      %scan3A_429 = arith.addi %scan3A_422, %scan3A_428 : i32
      %mul3A_430 = arith.constant 16 : i32
      %mul3A_431 = arith.muli %scan3A_429, %mul3A_430 : i32
      %get3A_432 = arith.index_cast %mul3A_431 : i32 to index
      %get3A_433 = tpu.vector_load %arg4[%get3A_432] {strides = array<i32>} : memref<100000xf32, #tpu.memory_space<vmem>>, vector<16xf32>,
      %sub3A_434 = arith.subf %get3A_433, %add3A_79 : vector<16xf32>
      %swap3A_435 = arith.index_cast %mul3A_431 : i32 to index
      %swap3A_436 = tpu.vector_load %arg4[%swap3A_435] {strides = array<i32>} : memref<100000xf32, #tpu.memory_space<vmem>>, vector<16xf32>,
      tpu.vector_store %arg4[%swap3A_435], %sub3A_434 {strides = array<i32>} : memref<100000xf32, #tpu.memory_space<vmem>>, vector<16xf32>,
      %scan3A_437 = arith.constant 2 : i32
      %scan3A_438 = arith.addi %scan3A_422, %scan3A_437 : i32
      %mul3A_439 = arith.constant 16 : i32
      %mul3A_440 = arith.muli %scan3A_438, %mul3A_439 : i32
      %get3A_441 = arith.index_cast %mul3A_440 : i32 to index
      %get3A_442 = tpu.vector_load %arg4[%get3A_441] {strides = array<i32>} : memref<100000xf32, #tpu.memory_space<vmem>>, vector<16xf32>,
      %sub3A_443 = arith.subf %get3A_442, %add3A_79 : vector<16xf32>
      %swap3A_444 = arith.index_cast %mul3A_440 : i32 to index
      %swap3A_445 = tpu.vector_load %arg4[%swap3A_444] {strides = array<i32>} : memref<100000xf32, #tpu.memory_space<vmem>>, vector<16xf32>,
      tpu.vector_store %arg4[%swap3A_444], %sub3A_443 {strides = array<i32>} : memref<100000xf32, #tpu.memory_space<vmem>>, vector<16xf32>,
      %scan3A_446 = arith.constant 3 : i32
      %scan3A_447 = arith.addi %scan3A_422, %scan3A_446 : i32
      %mul3A_448 = arith.constant 16 : i32
      %mul3A_449 = arith.muli %scan3A_447, %mul3A_448 : i32
      %get3A_450 = arith.index_cast %mul3A_449 : i32 to index
      %get3A_451 = tpu.vector_load %arg4[%get3A_450] {strides = array<i32>} : memref<100000xf32, #tpu.memory_space<vmem>>, vector<16xf32>,
      %sub3A_452 = arith.subf %get3A_451, %add3A_79 : vector<16xf32>
      %swap3A_453 = arith.index_cast %mul3A_449 : i32 to index
      %swap3A_454 = tpu.vector_load %arg4[%swap3A_453] {strides = array<i32>} : memref<100000xf32, #tpu.memory_space<vmem>>, vector<16xf32>,
      tpu.vector_store %arg4[%swap3A_453], %sub3A_452 {strides = array<i32>} : memref<100000xf32, #tpu.memory_space<vmem>>, vector<16xf32>,
      %scan3A_455 = arith.constant 4 : i32
      %scan3A_456 = arith.addi %scan3A_422, %scan3A_455 : i32
      %mul3A_457 = arith.constant 16 : i32
      %mul3A_458 = arith.muli %scan3A_456, %mul3A_457 : i32
      %get3A_459 = arith.index_cast %mul3A_458 : i32 to index
      %get3A_460 = tpu.vector_load %arg4[%get3A_459] {strides = array<i32>} : memref<100000xf32, #tpu.memory_space<vmem>>, vector<16xf32>,
      %sub3A_461 = arith.subf %get3A_460, %add3A_79 : vector<16xf32>
      %swap3A_462 = arith.index_cast %mul3A_458 : i32 to index
      %swap3A_463 = tpu.vector_load %arg4[%swap3A_462] {strides = array<i32>} : memref<100000xf32, #tpu.memory_space<vmem>>, vector<16xf32>,
      tpu.vector_store %arg4[%swap3A_462], %sub3A_461 {strides = array<i32>} : memref<100000xf32, #tpu.memory_space<vmem>>, vector<16xf32>,
    }
    %scan3A_85 = arith.constant 6250 : i32
    %dma_start3A_86 = arith.constant 0 : i32
    %dma_start3A_87 = tpu.memref_slice %arg3[%add3A_4, %dma_start3A_86] : memref<128x100000xf32, #tpu.memory_space<hbm>> -> memref<1x100000xf32, #tpu.memory_space<hbm>>
    %dma_start3A_88 = tpu.memref_squeeze %dma_start3A_87 : memref<1x100000xf32, #tpu.memory_space<hbm>> -> memref<100000xf32, #tpu.memory_space<hbm>>
    %dma_start3A_89 = arith.constant 0 : i32
    %dma_start3A_90 = tpu.memref_slice %arg3[%add3A_4, %dma_start3A_89] : memref<128x100000xf32, #tpu.memory_space<hbm>> -> memref<1x100000xf32, #tpu.memory_space<hbm>>
    %dma_start3A_91 = tpu.memref_squeeze %dma_start3A_90 : memref<1x100000xf32, #tpu.memory_space<hbm>> -> memref<100000xf32, #tpu.memory_space<hbm>>
    tpu.enqueue_dma source(%arg4 : memref<100000xf32, #tpu.memory_space<vmem>>) target(%dma_start3A_91 : memref<100000xf32, #tpu.memory_space<hbm>>) target_semaphore(%arg6 : memref<!tpu.dma_semaphore, #tpu.memory_space<semaphore_mem>>)
    %dma_wait3A_92 = arith.constant 0 : i32
    %dma_wait3A_93 = tpu.memref_slice %arg3[%add3A_4, %dma_wait3A_92] : memref<128x100000xf32, #tpu.memory_space<hbm>> -> memref<1x100000xf32, #tpu.memory_space<hbm>>
    %dma_wait3A_94 = tpu.memref_squeeze %dma_wait3A_93 : memref<1x100000xf32, #tpu.memory_space<hbm>> -> memref<100000xf32, #tpu.memory_space<hbm>>
    %dma_wait3A_95 = arith.constant 0 : i32
    %dma_wait3A_96 = tpu.memref_slice %arg3[%add3A_4, %dma_wait3A_95] : memref<128x100000xf32, #tpu.memory_space<hbm>> -> memref<1x100000xf32, #tpu.memory_space<hbm>>
    %dma_wait3A_97 = tpu.memref_squeeze %dma_wait3A_96 : memref<1x100000xf32, #tpu.memory_space<hbm>> -> memref<100000xf32, #tpu.memory_space<hbm>>
    tpu.wait_dma2 semaphore(%arg6 : memref<!tpu.dma_semaphore, #tpu.memory_space<semaphore_mem>>) src(%arg4 : memref<100000xf32, #tpu.memory_space<vmem>>) dst(%dma_wait3A_97 : memref<100000xf32, #tpu.memory_space<hbm>>)
    %mul3A_98 = arith.constant 4 : i32
    %mul3A_99 = arith.muli %add3A, %mul3A_98 : i32
    %add3A_100 = arith.constant 1 : i32
    %add3A_101 = arith.addi %mul3A_99, %add3A_100 : i32
    %dma_start3A_102 = arith.constant 0 : i32
    %dma_start3A_103 = tpu.memref_slice %arg2[%add3A_101, %dma_start3A_102] : memref<128x100000xf32, #tpu.memory_space<hbm>> -> memref<1x100000xf32, #tpu.memory_space<hbm>>
    %dma_start3A_104 = tpu.memref_squeeze %dma_start3A_103 : memref<1x100000xf32, #tpu.memory_space<hbm>> -> memref<100000xf32, #tpu.memory_space<hbm>>
    %dma_start3A_105 = arith.constant 0 : i32
    %dma_start3A_106 = tpu.memref_slice %arg2[%add3A_101, %dma_start3A_105] : memref<128x100000xf32, #tpu.memory_space<hbm>> -> memref<1x100000xf32, #tpu.memory_space<hbm>>
    %dma_start3A_107 = tpu.memref_squeeze %dma_start3A_106 : memref<1x100000xf32, #tpu.memory_space<hbm>> -> memref<100000xf32, #tpu.memory_space<hbm>>
    tpu.enqueue_dma source(%dma_start3A_107 : memref<100000xf32, #tpu.memory_space<hbm>>) target(%arg4 : memref<100000xf32, #tpu.memory_space<vmem>>) target_semaphore(%arg5 : memref<!tpu.dma_semaphore, #tpu.memory_space<semaphore_mem>>)
    %dma_wait3A_108 = arith.constant 0 : i32
    %dma_wait3A_109 = tpu.memref_slice %arg2[%add3A_101, %dma_wait3A_108] : memref<128x100000xf32, #tpu.memory_space<hbm>> -> memref<1x100000xf32, #tpu.memory_space<hbm>>
    %dma_wait3A_110 = tpu.memref_squeeze %dma_wait3A_109 : memref<1x100000xf32, #tpu.memory_space<hbm>> -> memref<100000xf32, #tpu.memory_space<hbm>>
    %dma_wait3A_111 = arith.constant 0 : i32
    %dma_wait3A_112 = tpu.memref_slice %arg2[%add3A_101, %dma_wait3A_111] : memref<128x100000xf32, #tpu.memory_space<hbm>> -> memref<1x100000xf32, #tpu.memory_space<hbm>>
    %dma_wait3A_113 = tpu.memref_squeeze %dma_wait3A_112 : memref<1x100000xf32, #tpu.memory_space<hbm>> -> memref<100000xf32, #tpu.memory_space<hbm>>
    tpu.wait_dma2 semaphore(%arg5 : memref<!tpu.dma_semaphore, #tpu.memory_space<semaphore_mem>>) src(%dma_wait3A_113 : memref<100000xf32, #tpu.memory_space<hbm>>) dst(%arg4 : memref<100000xf32, #tpu.memory_space<vmem>>)
    %broadcast_in_dim3A_114 = arith.constant 0xFF800000 : f32
    %broadcast_in_dim3A_115 = vector.broadcast %broadcast_in_dim3A_114 : f32 to vector<16xf32>
    %scan3A_116 = arith.constant 0 : i32
    %scan3A_117 = arith.constant 6250 : i32
    %scan3A_118 = arith.addi %scan3A_116, %scan3A_117 : i32
    %scan3A_119 = arith.constant 5 : i32
    %scan3A_120 = scf.for %scan3A_422 = %scan3A_116 to %scan3A_118 step %scan3A_119 iter_args(%scan3A_423 = %broadcast_in_dim3A_115) -> (vector<16xf32>)  : i32 {
      %mul3A_424 = arith.constant 16 : i32
      %mul3A_425 = arith.muli %scan3A_422, %mul3A_424 : i32
      %get3A = arith.index_cast %mul3A_425 : i32 to index
      %get3A_426 = tpu.vector_load %arg4[%get3A] {strides = array<i32>} : memref<100000xf32, #tpu.memory_space<vmem>>, vector<16xf32>,
      %max3A = arith.maximumf %scan3A_423, %get3A_426 : vector<16xf32>
      %scan3A_427 = arith.constant 1 : i32
      %scan3A_428 = arith.addi %scan3A_422, %scan3A_427 : i32
      %mul3A_429 = arith.constant 16 : i32
      %mul3A_430 = arith.muli %scan3A_428, %mul3A_429 : i32
      %get3A_431 = arith.index_cast %mul3A_430 : i32 to index
      %get3A_432 = tpu.vector_load %arg4[%get3A_431] {strides = array<i32>} : memref<100000xf32, #tpu.memory_space<vmem>>, vector<16xf32>,
      %max3A_433 = arith.maximumf %max3A, %get3A_432 : vector<16xf32>
      %scan3A_434 = arith.constant 2 : i32
      %scan3A_435 = arith.addi %scan3A_422, %scan3A_434 : i32
      %mul3A_436 = arith.constant 16 : i32
      %mul3A_437 = arith.muli %scan3A_435, %mul3A_436 : i32
      %get3A_438 = arith.index_cast %mul3A_437 : i32 to index
      %get3A_439 = tpu.vector_load %arg4[%get3A_438] {strides = array<i32>} : memref<100000xf32, #tpu.memory_space<vmem>>, vector<16xf32>,
      %max3A_440 = arith.maximumf %max3A_433, %get3A_439 : vector<16xf32>
      %scan3A_441 = arith.constant 3 : i32
      %scan3A_442 = arith.addi %scan3A_422, %scan3A_441 : i32
      %mul3A_443 = arith.constant 16 : i32
      %mul3A_444 = arith.muli %scan3A_442, %mul3A_443 : i32
      %get3A_445 = arith.index_cast %mul3A_444 : i32 to index
      %get3A_446 = tpu.vector_load %arg4[%get3A_445] {strides = array<i32>} : memref<100000xf32, #tpu.memory_space<vmem>>, vector<16xf32>,
      %max3A_447 = arith.maximumf %max3A_440, %get3A_446 : vector<16xf32>
      %scan3A_448 = arith.constant 4 : i32
      %scan3A_449 = arith.addi %scan3A_422, %scan3A_448 : i32
      %mul3A_450 = arith.constant 16 : i32
      %mul3A_451 = arith.muli %scan3A_449, %mul3A_450 : i32
      %get3A_452 = arith.index_cast %mul3A_451 : i32 to index
      %get3A_453 = tpu.vector_load %arg4[%get3A_452] {strides = array<i32>} : memref<100000xf32, #tpu.memory_space<vmem>>, vector<16xf32>,
      %max3A_454 = arith.maximumf %max3A_447, %get3A_453 : vector<16xf32>
      scf.yield %max3A_454 : vector<16xf32>
    }
    %scan3A_121 = arith.constant 6250 : i32
    %reduce_max3A_122 = arith.constant true
    %reduce_max3A_123 = vector.broadcast %reduce_max3A_122 : i1 to vector<16xi1>
    %reduce_max3A_124 = tpu.scan <max>, %scan3A_120 masked %reduce_max3A_123 : vector<16xf32>, vector<16xi1> -> vector<16xf32>
    %reduce_max3A_125 = vector.extract %reduce_max3A_124[15] : f32 from vector<16xf32>
    %broadcast_in_dim3A_126 = vector.broadcast %reduce_max3A_125 : f32 to vector<16xf32>
    %broadcast_in_dim3A_127 = arith.constant 0.000000e+00 : f32
    %broadcast_in_dim3A_128 = vector.broadcast %broadcast_in_dim3A_127 : f32 to vector<16xf32>
    %scan3A_129 = arith.constant 0 : i32
    %scan3A_130 = arith.constant 6250 : i32
    %scan3A_131 = arith.addi %scan3A_129, %scan3A_130 : i32
    %scan3A_132 = arith.constant 5 : i32
    %scan3A_133 = scf.for %scan3A_422 = %scan3A_129 to %scan3A_131 step %scan3A_132 iter_args(%scan3A_423 = %broadcast_in_dim3A_128) -> (vector<16xf32>)  : i32 {
      %mul3A_424 = arith.constant 16 : i32
      %mul3A_425 = arith.muli %scan3A_422, %mul3A_424 : i32
      %get3A = arith.index_cast %mul3A_425 : i32 to index
      %get3A_426 = tpu.vector_load %arg4[%get3A] {strides = array<i32>} : memref<100000xf32, #tpu.memory_space<vmem>>, vector<16xf32>,
      %sub3A_427 = arith.subf %get3A_426, %broadcast_in_dim3A_126 : vector<16xf32>
      %exp3A_428 = math.exp %sub3A_427 : vector<16xf32>
      %add3A_429 = arith.addf %scan3A_423, %exp3A_428 : vector<16xf32>
      %scan3A_430 = arith.constant 1 : i32
      %scan3A_431 = arith.addi %scan3A_422, %scan3A_430 : i32
      %mul3A_432 = arith.constant 16 : i32
      %mul3A_433 = arith.muli %scan3A_431, %mul3A_432 : i32
      %get3A_434 = arith.index_cast %mul3A_433 : i32 to index
      %get3A_435 = tpu.vector_load %arg4[%get3A_434] {strides = array<i32>} : memref<100000xf32, #tpu.memory_space<vmem>>, vector<16xf32>,
      %sub3A_436 = arith.subf %get3A_435, %broadcast_in_dim3A_126 : vector<16xf32>
      %exp3A_437 = math.exp %sub3A_436 : vector<16xf32>
      %add3A_438 = arith.addf %add3A_429, %exp3A_437 : vector<16xf32>
      %scan3A_439 = arith.constant 2 : i32
      %scan3A_440 = arith.addi %scan3A_422, %scan3A_439 : i32
      %mul3A_441 = arith.constant 16 : i32
      %mul3A_442 = arith.muli %scan3A_440, %mul3A_441 : i32
      %get3A_443 = arith.index_cast %mul3A_442 : i32 to index
      %get3A_444 = tpu.vector_load %arg4[%get3A_443] {strides = array<i32>} : memref<100000xf32, #tpu.memory_space<vmem>>, vector<16xf32>,
      %sub3A_445 = arith.subf %get3A_444, %broadcast_in_dim3A_126 : vector<16xf32>
      %exp3A_446 = math.exp %sub3A_445 : vector<16xf32>
      %add3A_447 = arith.addf %add3A_438, %exp3A_446 : vector<16xf32>
      %scan3A_448 = arith.constant 3 : i32
      %scan3A_449 = arith.addi %scan3A_422, %scan3A_448 : i32
      %mul3A_450 = arith.constant 16 : i32
      %mul3A_451 = arith.muli %scan3A_449, %mul3A_450 : i32
      %get3A_452 = arith.index_cast %mul3A_451 : i32 to index
      %get3A_453 = tpu.vector_load %arg4[%get3A_452] {strides = array<i32>} : memref<100000xf32, #tpu.memory_space<vmem>>, vector<16xf32>,
      %sub3A_454 = arith.subf %get3A_453, %broadcast_in_dim3A_126 : vector<16xf32>
      %exp3A_455 = math.exp %sub3A_454 : vector<16xf32>
      %add3A_456 = arith.addf %add3A_447, %exp3A_455 : vector<16xf32>
      %scan3A_457 = arith.constant 4 : i32
      %scan3A_458 = arith.addi %scan3A_422, %scan3A_457 : i32
      %mul3A_459 = arith.constant 16 : i32
      %mul3A_460 = arith.muli %scan3A_458, %mul3A_459 : i32
      %get3A_461 = arith.index_cast %mul3A_460 : i32 to index
      %get3A_462 = tpu.vector_load %arg4[%get3A_461] {strides = array<i32>} : memref<100000xf32, #tpu.memory_space<vmem>>, vector<16xf32>,
      %sub3A_463 = arith.subf %get3A_462, %broadcast_in_dim3A_126 : vector<16xf32>
      %exp3A_464 = math.exp %sub3A_463 : vector<16xf32>
      %add3A_465 = arith.addf %add3A_456, %exp3A_464 : vector<16xf32>
      scf.yield %add3A_465 : vector<16xf32>
    }
    %scan3A_134 = arith.constant 6250 : i32
    %reduce_sum3A_135 = arith.constant true
    %reduce_sum3A_136 = vector.broadcast %reduce_sum3A_135 : i1 to vector<16xi1>
    %reduce_sum3A_137 = tpu.scan <sum>, %scan3A_133 masked %reduce_sum3A_136 : vector<16xf32>, vector<16xi1> -> vector<16xf32>
    %reduce_sum3A_138 = vector.extract %reduce_sum3A_137[15] : f32 from vector<16xf32>
    %broadcast_in_dim3A_139 = vector.broadcast %reduce_sum3A_138 : f32 to vector<16xf32>
    %bitcast3A_140 = vector.bitcast %broadcast_in_dim3A_139 : vector<16xf32> to vector<16xi32>
    %convert_element_type3A_141 = arith.sitofp %bitcast3A_140 : vector<16xi32> to vector<16xf32>
    %mul3A_142 = arith.constant 1.1920929E-7 : f32
    %mul3A_143 = vector.broadcast %mul3A_142 : f32 to vector<16xf32>
    %mul3A_144 = arith.mulf %convert_element_type3A_141, %mul3A_143 : vector<16xf32>
    %sub3A_145 = arith.constant 126.956993 : f32
    %sub3A_146 = vector.broadcast %sub3A_145 : f32 to vector<16xf32>
    %sub3A_147 = arith.subf %mul3A_144, %sub3A_146 : vector<16xf32>
    %mul3A_148 = arith.constant 0.693147182 : f32
    %mul3A_149 = vector.broadcast %mul3A_148 : f32 to vector<16xf32>
    %mul3A_150 = arith.mulf %sub3A_147, %mul3A_149 : vector<16xf32>
    %neg3A_151 = arith.constant 0.000000e+00 : f32
    %neg3A_152 = vector.broadcast %neg3A_151 : f32 to vector<16xf32>
    %neg3A_153 = arith.subf %neg3A_152, %mul3A_150 : vector<16xf32>
    %exp3A_154 = math.exp %neg3A_153 : vector<16xf32>
    %mul3A_155 = arith.mulf %broadcast_in_dim3A_139, %exp3A_154 : vector<16xf32>
    %add3A_156 = arith.addf %mul3A_150, %mul3A_155 : vector<16xf32>
    %sub3A_157 = arith.constant 1.000000e+00 : f32
    %sub3A_158 = vector.broadcast %sub3A_157 : f32 to vector<16xf32>
    %sub3A_159 = arith.subf %add3A_156, %sub3A_158 : vector<16xf32>
    %neg3A_160 = arith.constant 0.000000e+00 : f32
    %neg3A_161 = vector.broadcast %neg3A_160 : f32 to vector<16xf32>
    %neg3A_162 = arith.subf %neg3A_161, %sub3A_159 : vector<16xf32>
    %exp3A_163 = math.exp %neg3A_162 : vector<16xf32>
    %mul3A_164 = arith.mulf %broadcast_in_dim3A_139, %exp3A_163 : vector<16xf32>
    %add3A_165 = arith.addf %sub3A_159, %mul3A_164 : vector<16xf32>
    %sub3A_166 = arith.constant 1.000000e+00 : f32
    %sub3A_167 = vector.broadcast %sub3A_166 : f32 to vector<16xf32>
    %sub3A_168 = arith.subf %add3A_165, %sub3A_167 : vector<16xf32>
    %neg3A_169 = arith.constant 0.000000e+00 : f32
    %neg3A_170 = vector.broadcast %neg3A_169 : f32 to vector<16xf32>
    %neg3A_171 = arith.subf %neg3A_170, %sub3A_168 : vector<16xf32>
    %exp3A_172 = math.exp %neg3A_171 : vector<16xf32>
    %mul3A_173 = arith.mulf %broadcast_in_dim3A_139, %exp3A_172 : vector<16xf32>
    %add3A_174 = arith.addf %sub3A_168, %mul3A_173 : vector<16xf32>
    %sub3A_175 = arith.constant 1.000000e+00 : f32
    %sub3A_176 = vector.broadcast %sub3A_175 : f32 to vector<16xf32>
    %sub3A_177 = arith.subf %add3A_174, %sub3A_176 : vector<16xf32>
    %neg3A_178 = arith.constant 0.000000e+00 : f32
    %neg3A_179 = vector.broadcast %neg3A_178 : f32 to vector<16xf32>
    %neg3A_180 = arith.subf %neg3A_179, %sub3A_177 : vector<16xf32>
    %exp3A_181 = math.exp %neg3A_180 : vector<16xf32>
    %mul3A_182 = arith.mulf %broadcast_in_dim3A_139, %exp3A_181 : vector<16xf32>
    %add3A_183 = arith.addf %sub3A_177, %mul3A_182 : vector<16xf32>
    %sub3A_184 = arith.constant 1.000000e+00 : f32
    %sub3A_185 = vector.broadcast %sub3A_184 : f32 to vector<16xf32>
    %sub3A_186 = arith.subf %add3A_183, %sub3A_185 : vector<16xf32>
    %add3A_187 = arith.addf %sub3A_186, %broadcast_in_dim3A_126 : vector<16xf32>
    %scan3A_188 = arith.constant 0 : i32
    %scan3A_189 = arith.constant 0 : i32
    %scan3A_190 = arith.constant 6250 : i32
    %scan3A_191 = arith.addi %scan3A_189, %scan3A_190 : i32
    %scan3A_192 = arith.constant 5 : i32
    scf.for %scan3A_422 = %scan3A_189 to %scan3A_191 step %scan3A_192  : i32 {
      %mul3A_423 = arith.constant 16 : i32
      %mul3A_424 = arith.muli %scan3A_422, %mul3A_423 : i32
      %get3A = arith.index_cast %mul3A_424 : i32 to index
      %get3A_425 = tpu.vector_load %arg4[%get3A] {strides = array<i32>} : memref<100000xf32, #tpu.memory_space<vmem>>, vector<16xf32>,
      %sub3A_426 = arith.subf %get3A_425, %add3A_187 : vector<16xf32>
      %swap3A = arith.index_cast %mul3A_424 : i32 to index
      %swap3A_427 = tpu.vector_load %arg4[%swap3A] {strides = array<i32>} : memref<100000xf32, #tpu.memory_space<vmem>>, vector<16xf32>,
      tpu.vector_store %arg4[%swap3A], %sub3A_426 {strides = array<i32>} : memref<100000xf32, #tpu.memory_space<vmem>>, vector<16xf32>,
      %scan3A_428 = arith.constant 1 : i32
      %scan3A_429 = arith.addi %scan3A_422, %scan3A_428 : i32
      %mul3A_430 = arith.constant 16 : i32
      %mul3A_431 = arith.muli %scan3A_429, %mul3A_430 : i32
      %get3A_432 = arith.index_cast %mul3A_431 : i32 to index
      %get3A_433 = tpu.vector_load %arg4[%get3A_432] {strides = array<i32>} : memref<100000xf32, #tpu.memory_space<vmem>>, vector<16xf32>,
      %sub3A_434 = arith.subf %get3A_433, %add3A_187 : vector<16xf32>
      %swap3A_435 = arith.index_cast %mul3A_431 : i32 to index
      %swap3A_436 = tpu.vector_load %arg4[%swap3A_435] {strides = array<i32>} : memref<100000xf32, #tpu.memory_space<vmem>>, vector<16xf32>,
      tpu.vector_store %arg4[%swap3A_435], %sub3A_434 {strides = array<i32>} : memref<100000xf32, #tpu.memory_space<vmem>>, vector<16xf32>,
      %scan3A_437 = arith.constant 2 : i32
      %scan3A_438 = arith.addi %scan3A_422, %scan3A_437 : i32
      %mul3A_439 = arith.constant 16 : i32
      %mul3A_440 = arith.muli %scan3A_438, %mul3A_439 : i32
      %get3A_441 = arith.index_cast %mul3A_440 : i32 to index
      %get3A_442 = tpu.vector_load %arg4[%get3A_441] {strides = array<i32>} : memref<100000xf32, #tpu.memory_space<vmem>>, vector<16xf32>,
      %sub3A_443 = arith.subf %get3A_442, %add3A_187 : vector<16xf32>
      %swap3A_444 = arith.index_cast %mul3A_440 : i32 to index
      %swap3A_445 = tpu.vector_load %arg4[%swap3A_444] {strides = array<i32>} : memref<100000xf32, #tpu.memory_space<vmem>>, vector<16xf32>,
      tpu.vector_store %arg4[%swap3A_444], %sub3A_443 {strides = array<i32>} : memref<100000xf32, #tpu.memory_space<vmem>>, vector<16xf32>,
      %scan3A_446 = arith.constant 3 : i32
      %scan3A_447 = arith.addi %scan3A_422, %scan3A_446 : i32
      %mul3A_448 = arith.constant 16 : i32
      %mul3A_449 = arith.muli %scan3A_447, %mul3A_448 : i32
      %get3A_450 = arith.index_cast %mul3A_449 : i32 to index
      %get3A_451 = tpu.vector_load %arg4[%get3A_450] {strides = array<i32>} : memref<100000xf32, #tpu.memory_space<vmem>>, vector<16xf32>,
      %sub3A_452 = arith.subf %get3A_451, %add3A_187 : vector<16xf32>
      %swap3A_453 = arith.index_cast %mul3A_449 : i32 to index
      %swap3A_454 = tpu.vector_load %arg4[%swap3A_453] {strides = array<i32>} : memref<100000xf32, #tpu.memory_space<vmem>>, vector<16xf32>,
      tpu.vector_store %arg4[%swap3A_453], %sub3A_452 {strides = array<i32>} : memref<100000xf32, #tpu.memory_space<vmem>>, vector<16xf32>,
      %scan3A_455 = arith.constant 4 : i32
      %scan3A_456 = arith.addi %scan3A_422, %scan3A_455 : i32
      %mul3A_457 = arith.constant 16 : i32
      %mul3A_458 = arith.muli %scan3A_456, %mul3A_457 : i32
      %get3A_459 = arith.index_cast %mul3A_458 : i32 to index
      %get3A_460 = tpu.vector_load %arg4[%get3A_459] {strides = array<i32>} : memref<100000xf32, #tpu.memory_space<vmem>>, vector<16xf32>,
      %sub3A_461 = arith.subf %get3A_460, %add3A_187 : vector<16xf32>
      %swap3A_462 = arith.index_cast %mul3A_458 : i32 to index
      %swap3A_463 = tpu.vector_load %arg4[%swap3A_462] {strides = array<i32>} : memref<100000xf32, #tpu.memory_space<vmem>>, vector<16xf32>,
      tpu.vector_store %arg4[%swap3A_462], %sub3A_461 {strides = array<i32>} : memref<100000xf32, #tpu.memory_space<vmem>>, vector<16xf32>,
    }
    %scan3A_193 = arith.constant 6250 : i32
    %dma_start3A_194 = arith.constant 0 : i32
    %dma_start3A_195 = tpu.memref_slice %arg3[%add3A_101, %dma_start3A_194] : memref<128x100000xf32, #tpu.memory_space<hbm>> -> memref<1x100000xf32, #tpu.memory_space<hbm>>
    %dma_start3A_196 = tpu.memref_squeeze %dma_start3A_195 : memref<1x100000xf32, #tpu.memory_space<hbm>> -> memref<100000xf32, #tpu.memory_space<hbm>>
    %dma_start3A_197 = arith.constant 0 : i32
    %dma_start3A_198 = tpu.memref_slice %arg3[%add3A_101, %dma_start3A_197] : memref<128x100000xf32, #tpu.memory_space<hbm>> -> memref<1x100000xf32, #tpu.memory_space<hbm>>
    %dma_start3A_199 = tpu.memref_squeeze %dma_start3A_198 : memref<1x100000xf32, #tpu.memory_space<hbm>> -> memref<100000xf32, #tpu.memory_space<hbm>>
    tpu.enqueue_dma source(%arg4 : memref<100000xf32, #tpu.memory_space<vmem>>) target(%dma_start3A_199 : memref<100000xf32, #tpu.memory_space<hbm>>) target_semaphore(%arg6 : memref<!tpu.dma_semaphore, #tpu.memory_space<semaphore_mem>>)
    %dma_wait3A_200 = arith.constant 0 : i32
    %dma_wait3A_201 = tpu.memref_slice %arg3[%add3A_101, %dma_wait3A_200] : memref<128x100000xf32, #tpu.memory_space<hbm>> -> memref<1x100000xf32, #tpu.memory_space<hbm>>
    %dma_wait3A_202 = tpu.memref_squeeze %dma_wait3A_201 : memref<1x100000xf32, #tpu.memory_space<hbm>> -> memref<100000xf32, #tpu.memory_space<hbm>>
    %dma_wait3A_203 = arith.constant 0 : i32
    %dma_wait3A_204 = tpu.memref_slice %arg3[%add3A_101, %dma_wait3A_203] : memref<128x100000xf32, #tpu.memory_space<hbm>> -> memref<1x100000xf32, #tpu.memory_space<hbm>>
    %dma_wait3A_205 = tpu.memref_squeeze %dma_wait3A_204 : memref<1x100000xf32, #tpu.memory_space<hbm>> -> memref<100000xf32, #tpu.memory_space<hbm>>
    tpu.wait_dma2 semaphore(%arg6 : memref<!tpu.dma_semaphore, #tpu.memory_space<semaphore_mem>>) src(%arg4 : memref<100000xf32, #tpu.memory_space<vmem>>) dst(%dma_wait3A_205 : memref<100000xf32, #tpu.memory_space<hbm>>)
    %mul3A_206 = arith.constant 4 : i32
    %mul3A_207 = arith.muli %add3A, %mul3A_206 : i32
    %add3A_208 = arith.constant 2 : i32
    %add3A_209 = arith.addi %mul3A_207, %add3A_208 : i32
    %dma_start3A_210 = arith.constant 0 : i32
    %dma_start3A_211 = tpu.memref_slice %arg2[%add3A_209, %dma_start3A_210] : memref<128x100000xf32, #tpu.memory_space<hbm>> -> memref<1x100000xf32, #tpu.memory_space<hbm>>
    %dma_start3A_212 = tpu.memref_squeeze %dma_start3A_211 : memref<1x100000xf32, #tpu.memory_space<hbm>> -> memref<100000xf32, #tpu.memory_space<hbm>>
    %dma_start3A_213 = arith.constant 0 : i32
    %dma_start3A_214 = tpu.memref_slice %arg2[%add3A_209, %dma_start3A_213] : memref<128x100000xf32, #tpu.memory_space<hbm>> -> memref<1x100000xf32, #tpu.memory_space<hbm>>
    %dma_start3A_215 = tpu.memref_squeeze %dma_start3A_214 : memref<1x100000xf32, #tpu.memory_space<hbm>> -> memref<100000xf32, #tpu.memory_space<hbm>>
    tpu.enqueue_dma source(%dma_start3A_215 : memref<100000xf32, #tpu.memory_space<hbm>>) target(%arg4 : memref<100000xf32, #tpu.memory_space<vmem>>) target_semaphore(%arg5 : memref<!tpu.dma_semaphore, #tpu.memory_space<semaphore_mem>>)
    %dma_wait3A_216 = arith.constant 0 : i32
    %dma_wait3A_217 = tpu.memref_slice %arg2[%add3A_209, %dma_wait3A_216] : memref<128x100000xf32, #tpu.memory_space<hbm>> -> memref<1x100000xf32, #tpu.memory_space<hbm>>
    %dma_wait3A_218 = tpu.memref_squeeze %dma_wait3A_217 : memref<1x100000xf32, #tpu.memory_space<hbm>> -> memref<100000xf32, #tpu.memory_space<hbm>>
    %dma_wait3A_219 = arith.constant 0 : i32
    %dma_wait3A_220 = tpu.memref_slice %arg2[%add3A_209, %dma_wait3A_219] : memref<128x100000xf32, #tpu.memory_space<hbm>> -> memref<1x100000xf32, #tpu.memory_space<hbm>>
    %dma_wait3A_221 = tpu.memref_squeeze %dma_wait3A_220 : memref<1x100000xf32, #tpu.memory_space<hbm>> -> memref<100000xf32, #tpu.memory_space<hbm>>
    tpu.wait_dma2 semaphore(%arg5 : memref<!tpu.dma_semaphore, #tpu.memory_space<semaphore_mem>>) src(%dma_wait3A_221 : memref<100000xf32, #tpu.memory_space<hbm>>) dst(%arg4 : memref<100000xf32, #tpu.memory_space<vmem>>)
    %broadcast_in_dim3A_222 = arith.constant 0xFF800000 : f32
    %broadcast_in_dim3A_223 = vector.broadcast %broadcast_in_dim3A_222 : f32 to vector<16xf32>
    %scan3A_224 = arith.constant 0 : i32
    %scan3A_225 = arith.constant 6250 : i32
    %scan3A_226 = arith.addi %scan3A_224, %scan3A_225 : i32
    %scan3A_227 = arith.constant 5 : i32
    %scan3A_228 = scf.for %scan3A_422 = %scan3A_224 to %scan3A_226 step %scan3A_227 iter_args(%scan3A_423 = %broadcast_in_dim3A_223) -> (vector<16xf32>)  : i32 {
      %mul3A_424 = arith.constant 16 : i32
      %mul3A_425 = arith.muli %scan3A_422, %mul3A_424 : i32
      %get3A = arith.index_cast %mul3A_425 : i32 to index
      %get3A_426 = tpu.vector_load %arg4[%get3A] {strides = array<i32>} : memref<100000xf32, #tpu.memory_space<vmem>>, vector<16xf32>,
      %max3A = arith.maximumf %scan3A_423, %get3A_426 : vector<16xf32>
      %scan3A_427 = arith.constant 1 : i32
      %scan3A_428 = arith.addi %scan3A_422, %scan3A_427 : i32
      %mul3A_429 = arith.constant 16 : i32
      %mul3A_430 = arith.muli %scan3A_428, %mul3A_429 : i32
      %get3A_431 = arith.index_cast %mul3A_430 : i32 to index
      %get3A_432 = tpu.vector_load %arg4[%get3A_431] {strides = array<i32>} : memref<100000xf32, #tpu.memory_space<vmem>>, vector<16xf32>,
      %max3A_433 = arith.maximumf %max3A, %get3A_432 : vector<16xf32>
      %scan3A_434 = arith.constant 2 : i32
      %scan3A_435 = arith.addi %scan3A_422, %scan3A_434 : i32
      %mul3A_436 = arith.constant 16 : i32
      %mul3A_437 = arith.muli %scan3A_435, %mul3A_436 : i32
      %get3A_438 = arith.index_cast %mul3A_437 : i32 to index
      %get3A_439 = tpu.vector_load %arg4[%get3A_438] {strides = array<i32>} : memref<100000xf32, #tpu.memory_space<vmem>>, vector<16xf32>,
      %max3A_440 = arith.maximumf %max3A_433, %get3A_439 : vector<16xf32>
      %scan3A_441 = arith.constant 3 : i32
      %scan3A_442 = arith.addi %scan3A_422, %scan3A_441 : i32
      %mul3A_443 = arith.constant 16 : i32
      %mul3A_444 = arith.muli %scan3A_442, %mul3A_443 : i32
      %get3A_445 = arith.index_cast %mul3A_444 : i32 to index
      %get3A_446 = tpu.vector_load %arg4[%get3A_445] {strides = array<i32>} : memref<100000xf32, #tpu.memory_space<vmem>>, vector<16xf32>,
      %max3A_447 = arith.maximumf %max3A_440, %get3A_446 : vector<16xf32>
      %scan3A_448 = arith.constant 4 : i32
      %scan3A_449 = arith.addi %scan3A_422, %scan3A_448 : i32
      %mul3A_450 = arith.constant 16 : i32
      %mul3A_451 = arith.muli %scan3A_449, %mul3A_450 : i32
      %get3A_452 = arith.index_cast %mul3A_451 : i32 to index
      %get3A_453 = tpu.vector_load %arg4[%get3A_452] {strides = array<i32>} : memref<100000xf32, #tpu.memory_space<vmem>>, vector<16xf32>,
      %max3A_454 = arith.maximumf %max3A_447, %get3A_453 : vector<16xf32>
      scf.yield %max3A_454 : vector<16xf32>
    }
    %scan3A_229 = arith.constant 6250 : i32
    %reduce_max3A_230 = arith.constant true
    %reduce_max3A_231 = vector.broadcast %reduce_max3A_230 : i1 to vector<16xi1>
    %reduce_max3A_232 = tpu.scan <max>, %scan3A_228 masked %reduce_max3A_231 : vector<16xf32>, vector<16xi1> -> vector<16xf32>
    %reduce_max3A_233 = vector.extract %reduce_max3A_232[15] : f32 from vector<16xf32>
    %broadcast_in_dim3A_234 = vector.broadcast %reduce_max3A_233 : f32 to vector<16xf32>
    %broadcast_in_dim3A_235 = arith.constant 0.000000e+00 : f32
    %broadcast_in_dim3A_236 = vector.broadcast %broadcast_in_dim3A_235 : f32 to vector<16xf32>
    %scan3A_237 = arith.constant 0 : i32
    %scan3A_238 = arith.constant 6250 : i32
    %scan3A_239 = arith.addi %scan3A_237, %scan3A_238 : i32
    %scan3A_240 = arith.constant 5 : i32
    %scan3A_241 = scf.for %scan3A_422 = %scan3A_237 to %scan3A_239 step %scan3A_240 iter_args(%scan3A_423 = %broadcast_in_dim3A_236) -> (vector<16xf32>)  : i32 {
      %mul3A_424 = arith.constant 16 : i32
      %mul3A_425 = arith.muli %scan3A_422, %mul3A_424 : i32
      %get3A = arith.index_cast %mul3A_425 : i32 to index
      %get3A_426 = tpu.vector_load %arg4[%get3A] {strides = array<i32>} : memref<100000xf32, #tpu.memory_space<vmem>>, vector<16xf32>,
      %sub3A_427 = arith.subf %get3A_426, %broadcast_in_dim3A_234 : vector<16xf32>
      %exp3A_428 = math.exp %sub3A_427 : vector<16xf32>
      %add3A_429 = arith.addf %scan3A_423, %exp3A_428 : vector<16xf32>
      %scan3A_430 = arith.constant 1 : i32
      %scan3A_431 = arith.addi %scan3A_422, %scan3A_430 : i32
      %mul3A_432 = arith.constant 16 : i32
      %mul3A_433 = arith.muli %scan3A_431, %mul3A_432 : i32
      %get3A_434 = arith.index_cast %mul3A_433 : i32 to index
      %get3A_435 = tpu.vector_load %arg4[%get3A_434] {strides = array<i32>} : memref<100000xf32, #tpu.memory_space<vmem>>, vector<16xf32>,
      %sub3A_436 = arith.subf %get3A_435, %broadcast_in_dim3A_234 : vector<16xf32>
      %exp3A_437 = math.exp %sub3A_436 : vector<16xf32>
      %add3A_438 = arith.addf %add3A_429, %exp3A_437 : vector<16xf32>
      %scan3A_439 = arith.constant 2 : i32
      %scan3A_440 = arith.addi %scan3A_422, %scan3A_439 : i32
      %mul3A_441 = arith.constant 16 : i32
      %mul3A_442 = arith.muli %scan3A_440, %mul3A_441 : i32
      %get3A_443 = arith.index_cast %mul3A_442 : i32 to index
      %get3A_444 = tpu.vector_load %arg4[%get3A_443] {strides = array<i32>} : memref<100000xf32, #tpu.memory_space<vmem>>, vector<16xf32>,
      %sub3A_445 = arith.subf %get3A_444, %broadcast_in_dim3A_234 : vector<16xf32>
      %exp3A_446 = math.exp %sub3A_445 : vector<16xf32>
      %add3A_447 = arith.addf %add3A_438, %exp3A_446 : vector<16xf32>
      %scan3A_448 = arith.constant 3 : i32
      %scan3A_449 = arith.addi %scan3A_422, %scan3A_448 : i32
      %mul3A_450 = arith.constant 16 : i32
      %mul3A_451 = arith.muli %scan3A_449, %mul3A_450 : i32
      %get3A_452 = arith.index_cast %mul3A_451 : i32 to index
      %get3A_453 = tpu.vector_load %arg4[%get3A_452] {strides = array<i32>} : memref<100000xf32, #tpu.memory_space<vmem>>, vector<16xf32>,
      %sub3A_454 = arith.subf %get3A_453, %broadcast_in_dim3A_234 : vector<16xf32>
      %exp3A_455 = math.exp %sub3A_454 : vector<16xf32>
      %add3A_456 = arith.addf %add3A_447, %exp3A_455 : vector<16xf32>
      %scan3A_457 = arith.constant 4 : i32
      %scan3A_458 = arith.addi %scan3A_422, %scan3A_457 : i32
      %mul3A_459 = arith.constant 16 : i32
      %mul3A_460 = arith.muli %scan3A_458, %mul3A_459 : i32
      %get3A_461 = arith.index_cast %mul3A_460 : i32 to index
      %get3A_462 = tpu.vector_load %arg4[%get3A_461] {strides = array<i32>} : memref<100000xf32, #tpu.memory_space<vmem>>, vector<16xf32>,
      %sub3A_463 = arith.subf %get3A_462, %broadcast_in_dim3A_234 : vector<16xf32>
      %exp3A_464 = math.exp %sub3A_463 : vector<16xf32>
      %add3A_465 = arith.addf %add3A_456, %exp3A_464 : vector<16xf32>
      scf.yield %add3A_465 : vector<16xf32>
    }
    %scan3A_242 = arith.constant 6250 : i32
    %reduce_sum3A_243 = arith.constant true
    %reduce_sum3A_244 = vector.broadcast %reduce_sum3A_243 : i1 to vector<16xi1>
    %reduce_sum3A_245 = tpu.scan <sum>, %scan3A_241 masked %reduce_sum3A_244 : vector<16xf32>, vector<16xi1> -> vector<16xf32>
    %reduce_sum3A_246 = vector.extract %reduce_sum3A_245[15] : f32 from vector<16xf32>
    %broadcast_in_dim3A_247 = vector.broadcast %reduce_sum3A_246 : f32 to vector<16xf32>
    %bitcast3A_248 = vector.bitcast %broadcast_in_dim3A_247 : vector<16xf32> to vector<16xi32>
    %convert_element_type3A_249 = arith.sitofp %bitcast3A_248 : vector<16xi32> to vector<16xf32>
    %mul3A_250 = arith.constant 1.1920929E-7 : f32
    %mul3A_251 = vector.broadcast %mul3A_250 : f32 to vector<16xf32>
    %mul3A_252 = arith.mulf %convert_element_type3A_249, %mul3A_251 : vector<16xf32>
    %sub3A_253 = arith.constant 126.956993 : f32
    %sub3A_254 = vector.broadcast %sub3A_253 : f32 to vector<16xf32>
    %sub3A_255 = arith.subf %mul3A_252, %sub3A_254 : vector<16xf32>
    %mul3A_256 = arith.constant 0.693147182 : f32
    %mul3A_257 = vector.broadcast %mul3A_256 : f32 to vector<16xf32>
    %mul3A_258 = arith.mulf %sub3A_255, %mul3A_257 : vector<16xf32>
    %neg3A_259 = arith.constant 0.000000e+00 : f32
    %neg3A_260 = vector.broadcast %neg3A_259 : f32 to vector<16xf32>
    %neg3A_261 = arith.subf %neg3A_260, %mul3A_258 : vector<16xf32>
    %exp3A_262 = math.exp %neg3A_261 : vector<16xf32>
    %mul3A_263 = arith.mulf %broadcast_in_dim3A_247, %exp3A_262 : vector<16xf32>
    %add3A_264 = arith.addf %mul3A_258, %mul3A_263 : vector<16xf32>
    %sub3A_265 = arith.constant 1.000000e+00 : f32
    %sub3A_266 = vector.broadcast %sub3A_265 : f32 to vector<16xf32>
    %sub3A_267 = arith.subf %add3A_264, %sub3A_266 : vector<16xf32>
    %neg3A_268 = arith.constant 0.000000e+00 : f32
    %neg3A_269 = vector.broadcast %neg3A_268 : f32 to vector<16xf32>
    %neg3A_270 = arith.subf %neg3A_269, %sub3A_267 : vector<16xf32>
    %exp3A_271 = math.exp %neg3A_270 : vector<16xf32>
    %mul3A_272 = arith.mulf %broadcast_in_dim3A_247, %exp3A_271 : vector<16xf32>
    %add3A_273 = arith.addf %sub3A_267, %mul3A_272 : vector<16xf32>
    %sub3A_274 = arith.constant 1.000000e+00 : f32
    %sub3A_275 = vector.broadcast %sub3A_274 : f32 to vector<16xf32>
    %sub3A_276 = arith.subf %add3A_273, %sub3A_275 : vector<16xf32>
    %neg3A_277 = arith.constant 0.000000e+00 : f32
    %neg3A_278 = vector.broadcast %neg3A_277 : f32 to vector<16xf32>
    %neg3A_279 = arith.subf %neg3A_278, %sub3A_276 : vector<16xf32>
    %exp3A_280 = math.exp %neg3A_279 : vector<16xf32>
    %mul3A_281 = arith.mulf %broadcast_in_dim3A_247, %exp3A_280 : vector<16xf32>
    %add3A_282 = arith.addf %sub3A_276, %mul3A_281 : vector<16xf32>
    %sub3A_283 = arith.constant 1.000000e+00 : f32
    %sub3A_284 = vector.broadcast %sub3A_283 : f32 to vector<16xf32>
    %sub3A_285 = arith.subf %add3A_282, %sub3A_284 : vector<16xf32>
    %neg3A_286 = arith.constant 0.000000e+00 : f32
    %neg3A_287 = vector.broadcast %neg3A_286 : f32 to vector<16xf32>
    %neg3A_288 = arith.subf %neg3A_287, %sub3A_285 : vector<16xf32>
    %exp3A_289 = math.exp %neg3A_288 : vector<16xf32>
    %mul3A_290 = arith.mulf %broadcast_in_dim3A_247, %exp3A_289 : vector<16xf32>
    %add3A_291 = arith.addf %sub3A_285, %mul3A_290 : vector<16xf32>
    %sub3A_292 = arith.constant 1.000000e+00 : f32
    %sub3A_293 = vector.broadcast %sub3A_292 : f32 to vector<16xf32>
    %sub3A_294 = arith.subf %add3A_291, %sub3A_293 : vector<16xf32>
    %add3A_295 = arith.addf %sub3A_294, %broadcast_in_dim3A_234 : vector<16xf32>
    %scan3A_296 = arith.constant 0 : i32
    %scan3A_297 = arith.constant 0 : i32
    %scan3A_298 = arith.constant 6250 : i32
    %scan3A_299 = arith.addi %scan3A_297, %scan3A_298 : i32
    %scan3A_300 = arith.constant 5 : i32
    scf.for %scan3A_422 = %scan3A_297 to %scan3A_299 step %scan3A_300  : i32 {
      %mul3A_423 = arith.constant 16 : i32
      %mul3A_424 = arith.muli %scan3A_422, %mul3A_423 : i32
      %get3A = arith.index_cast %mul3A_424 : i32 to index
      %get3A_425 = tpu.vector_load %arg4[%get3A] {strides = array<i32>} : memref<100000xf32, #tpu.memory_space<vmem>>, vector<16xf32>,
      %sub3A_426 = arith.subf %get3A_425, %add3A_295 : vector<16xf32>
      %swap3A = arith.index_cast %mul3A_424 : i32 to index
      %swap3A_427 = tpu.vector_load %arg4[%swap3A] {strides = array<i32>} : memref<100000xf32, #tpu.memory_space<vmem>>, vector<16xf32>,
      tpu.vector_store %arg4[%swap3A], %sub3A_426 {strides = array<i32>} : memref<100000xf32, #tpu.memory_space<vmem>>, vector<16xf32>,
      %scan3A_428 = arith.constant 1 : i32
      %scan3A_429 = arith.addi %scan3A_422, %scan3A_428 : i32
      %mul3A_430 = arith.constant 16 : i32
      %mul3A_431 = arith.muli %scan3A_429, %mul3A_430 : i32
      %get3A_432 = arith.index_cast %mul3A_431 : i32 to index
      %get3A_433 = tpu.vector_load %arg4[%get3A_432] {strides = array<i32>} : memref<100000xf32, #tpu.memory_space<vmem>>, vector<16xf32>,
      %sub3A_434 = arith.subf %get3A_433, %add3A_295 : vector<16xf32>
      %swap3A_435 = arith.index_cast %mul3A_431 : i32 to index
      %swap3A_436 = tpu.vector_load %arg4[%swap3A_435] {strides = array<i32>} : memref<100000xf32, #tpu.memory_space<vmem>>, vector<16xf32>,
      tpu.vector_store %arg4[%swap3A_435], %sub3A_434 {strides = array<i32>} : memref<100000xf32, #tpu.memory_space<vmem>>, vector<16xf32>,
      %scan3A_437 = arith.constant 2 : i32
      %scan3A_438 = arith.addi %scan3A_422, %scan3A_437 : i32
      %mul3A_439 = arith.constant 16 : i32
      %mul3A_440 = arith.muli %scan3A_438, %mul3A_439 : i32
      %get3A_441 = arith.index_cast %mul3A_440 : i32 to index
      %get3A_442 = tpu.vector_load %arg4[%get3A_441] {strides = array<i32>} : memref<100000xf32, #tpu.memory_space<vmem>>, vector<16xf32>,
      %sub3A_443 = arith.subf %get3A_442, %add3A_295 : vector<16xf32>
      %swap3A_444 = arith.index_cast %mul3A_440 : i32 to index
      %swap3A_445 = tpu.vector_load %arg4[%swap3A_444] {strides = array<i32>} : memref<100000xf32, #tpu.memory_space<vmem>>, vector<16xf32>,
      tpu.vector_store %arg4[%swap3A_444], %sub3A_443 {strides = array<i32>} : memref<100000xf32, #tpu.memory_space<vmem>>, vector<16xf32>,
      %scan3A_446 = arith.constant 3 : i32
      %scan3A_447 = arith.addi %scan3A_422, %scan3A_446 : i32
      %mul3A_448 = arith.constant 16 : i32
      %mul3A_449 = arith.muli %scan3A_447, %mul3A_448 : i32
      %get3A_450 = arith.index_cast %mul3A_449 : i32 to index
      %get3A_451 = tpu.vector_load %arg4[%get3A_450] {strides = array<i32>} : memref<100000xf32, #tpu.memory_space<vmem>>, vector<16xf32>,
      %sub3A_452 = arith.subf %get3A_451, %add3A_295 : vector<16xf32>
      %swap3A_453 = arith.index_cast %mul3A_449 : i32 to index
      %swap3A_454 = tpu.vector_load %arg4[%swap3A_453] {strides = array<i32>} : memref<100000xf32, #tpu.memory_space<vmem>>, vector<16xf32>,
      tpu.vector_store %arg4[%swap3A_453], %sub3A_452 {strides = array<i32>} : memref<100000xf32, #tpu.memory_space<vmem>>, vector<16xf32>,
      %scan3A_455 = arith.constant 4 : i32
      %scan3A_456 = arith.addi %scan3A_422, %scan3A_455 : i32
      %mul3A_457 = arith.constant 16 : i32
      %mul3A_458 = arith.muli %scan3A_456, %mul3A_457 : i32
      %get3A_459 = arith.index_cast %mul3A_458 : i32 to index
      %get3A_460 = tpu.vector_load %arg4[%get3A_459] {strides = array<i32>} : memref<100000xf32, #tpu.memory_space<vmem>>, vector<16xf32>,
      %sub3A_461 = arith.subf %get3A_460, %add3A_295 : vector<16xf32>
      %swap3A_462 = arith.index_cast %mul3A_458 : i32 to index
      %swap3A_463 = tpu.vector_load %arg4[%swap3A_462] {strides = array<i32>} : memref<100000xf32, #tpu.memory_space<vmem>>, vector<16xf32>,
      tpu.vector_store %arg4[%swap3A_462], %sub3A_461 {strides = array<i32>} : memref<100000xf32, #tpu.memory_space<vmem>>, vector<16xf32>,
    }
    %scan3A_301 = arith.constant 6250 : i32
    %dma_start3A_302 = arith.constant 0 : i32
    %dma_start3A_303 = tpu.memref_slice %arg3[%add3A_209, %dma_start3A_302] : memref<128x100000xf32, #tpu.memory_space<hbm>> -> memref<1x100000xf32, #tpu.memory_space<hbm>>
    %dma_start3A_304 = tpu.memref_squeeze %dma_start3A_303 : memref<1x100000xf32, #tpu.memory_space<hbm>> -> memref<100000xf32, #tpu.memory_space<hbm>>
    %dma_start3A_305 = arith.constant 0 : i32
    %dma_start3A_306 = tpu.memref_slice %arg3[%add3A_209, %dma_start3A_305] : memref<128x100000xf32, #tpu.memory_space<hbm>> -> memref<1x100000xf32, #tpu.memory_space<hbm>>
    %dma_start3A_307 = tpu.memref_squeeze %dma_start3A_306 : memref<1x100000xf32, #tpu.memory_space<hbm>> -> memref<100000xf32, #tpu.memory_space<hbm>>
    tpu.enqueue_dma source(%arg4 : memref<100000xf32, #tpu.memory_space<vmem>>) target(%dma_start3A_307 : memref<100000xf32, #tpu.memory_space<hbm>>) target_semaphore(%arg6 : memref<!tpu.dma_semaphore, #tpu.memory_space<semaphore_mem>>)
    %dma_wait3A_308 = arith.constant 0 : i32
    %dma_wait3A_309 = tpu.memref_slice %arg3[%add3A_209, %dma_wait3A_308] : memref<128x100000xf32, #tpu.memory_space<hbm>> -> memref<1x100000xf32, #tpu.memory_space<hbm>>
    %dma_wait3A_310 = tpu.memref_squeeze %dma_wait3A_309 : memref<1x100000xf32, #tpu.memory_space<hbm>> -> memref<100000xf32, #tpu.memory_space<hbm>>
    %dma_wait3A_311 = arith.constant 0 : i32
    %dma_wait3A_312 = tpu.memref_slice %arg3[%add3A_209, %dma_wait3A_311] : memref<128x100000xf32, #tpu.memory_space<hbm>> -> memref<1x100000xf32, #tpu.memory_space<hbm>>
    %dma_wait3A_313 = tpu.memref_squeeze %dma_wait3A_312 : memref<1x100000xf32, #tpu.memory_space<hbm>> -> memref<100000xf32, #tpu.memory_space<hbm>>
    tpu.wait_dma2 semaphore(%arg6 : memref<!tpu.dma_semaphore, #tpu.memory_space<semaphore_mem>>) src(%arg4 : memref<100000xf32, #tpu.memory_space<vmem>>) dst(%dma_wait3A_313 : memref<100000xf32, #tpu.memory_space<hbm>>)
    %mul3A_314 = arith.constant 4 : i32
    %mul3A_315 = arith.muli %add3A, %mul3A_314 : i32
    %add3A_316 = arith.constant 3 : i32
    %add3A_317 = arith.addi %mul3A_315, %add3A_316 : i32
    %dma_start3A_318 = arith.constant 0 : i32
    %dma_start3A_319 = tpu.memref_slice %arg2[%add3A_317, %dma_start3A_318] : memref<128x100000xf32, #tpu.memory_space<hbm>> -> memref<1x100000xf32, #tpu.memory_space<hbm>>
    %dma_start3A_320 = tpu.memref_squeeze %dma_start3A_319 : memref<1x100000xf32, #tpu.memory_space<hbm>> -> memref<100000xf32, #tpu.memory_space<hbm>>
    %dma_start3A_321 = arith.constant 0 : i32
    %dma_start3A_322 = tpu.memref_slice %arg2[%add3A_317, %dma_start3A_321] : memref<128x100000xf32, #tpu.memory_space<hbm>> -> memref<1x100000xf32, #tpu.memory_space<hbm>>
    %dma_start3A_323 = tpu.memref_squeeze %dma_start3A_322 : memref<1x100000xf32, #tpu.memory_space<hbm>> -> memref<100000xf32, #tpu.memory_space<hbm>>
    tpu.enqueue_dma source(%dma_start3A_323 : memref<100000xf32, #tpu.memory_space<hbm>>) target(%arg4 : memref<100000xf32, #tpu.memory_space<vmem>>) target_semaphore(%arg5 : memref<!tpu.dma_semaphore, #tpu.memory_space<semaphore_mem>>)
    %dma_wait3A_324 = arith.constant 0 : i32
    %dma_wait3A_325 = tpu.memref_slice %arg2[%add3A_317, %dma_wait3A_324] : memref<128x100000xf32, #tpu.memory_space<hbm>> -> memref<1x100000xf32, #tpu.memory_space<hbm>>
    %dma_wait3A_326 = tpu.memref_squeeze %dma_wait3A_325 : memref<1x100000xf32, #tpu.memory_space<hbm>> -> memref<100000xf32, #tpu.memory_space<hbm>>
    %dma_wait3A_327 = arith.constant 0 : i32
    %dma_wait3A_328 = tpu.memref_slice %arg2[%add3A_317, %dma_wait3A_327] : memref<128x100000xf32, #tpu.memory_space<hbm>> -> memref<1x100000xf32, #tpu.memory_space<hbm>>
    %dma_wait3A_329 = tpu.memref_squeeze %dma_wait3A_328 : memref<1x100000xf32, #tpu.memory_space<hbm>> -> memref<100000xf32, #tpu.memory_space<hbm>>
    tpu.wait_dma2 semaphore(%arg5 : memref<!tpu.dma_semaphore, #tpu.memory_space<semaphore_mem>>) src(%dma_wait3A_329 : memref<100000xf32, #tpu.memory_space<hbm>>) dst(%arg4 : memref<100000xf32, #tpu.memory_space<vmem>>)
    %broadcast_in_dim3A_330 = arith.constant 0xFF800000 : f32
    %broadcast_in_dim3A_331 = vector.broadcast %broadcast_in_dim3A_330 : f32 to vector<16xf32>
    %scan3A_332 = arith.constant 0 : i32
    %scan3A_333 = arith.constant 6250 : i32
    %scan3A_334 = arith.addi %scan3A_332, %scan3A_333 : i32
    %scan3A_335 = arith.constant 5 : i32
    %scan3A_336 = scf.for %scan3A_422 = %scan3A_332 to %scan3A_334 step %scan3A_335 iter_args(%scan3A_423 = %broadcast_in_dim3A_331) -> (vector<16xf32>)  : i32 {
      %mul3A_424 = arith.constant 16 : i32
      %mul3A_425 = arith.muli %scan3A_422, %mul3A_424 : i32
      %get3A = arith.index_cast %mul3A_425 : i32 to index
      %get3A_426 = tpu.vector_load %arg4[%get3A] {strides = array<i32>} : memref<100000xf32, #tpu.memory_space<vmem>>, vector<16xf32>,
      %max3A = arith.maximumf %scan3A_423, %get3A_426 : vector<16xf32>
      %scan3A_427 = arith.constant 1 : i32
      %scan3A_428 = arith.addi %scan3A_422, %scan3A_427 : i32
      %mul3A_429 = arith.constant 16 : i32
      %mul3A_430 = arith.muli %scan3A_428, %mul3A_429 : i32
      %get3A_431 = arith.index_cast %mul3A_430 : i32 to index
      %get3A_432 = tpu.vector_load %arg4[%get3A_431] {strides = array<i32>} : memref<100000xf32, #tpu.memory_space<vmem>>, vector<16xf32>,
      %max3A_433 = arith.maximumf %max3A, %get3A_432 : vector<16xf32>
      %scan3A_434 = arith.constant 2 : i32
      %scan3A_435 = arith.addi %scan3A_422, %scan3A_434 : i32
      %mul3A_436 = arith.constant 16 : i32
      %mul3A_437 = arith.muli %scan3A_435, %mul3A_436 : i32
      %get3A_438 = arith.index_cast %mul3A_437 : i32 to index
      %get3A_439 = tpu.vector_load %arg4[%get3A_438] {strides = array<i32>} : memref<100000xf32, #tpu.memory_space<vmem>>, vector<16xf32>,
      %max3A_440 = arith.maximumf %max3A_433, %get3A_439 : vector<16xf32>
      %scan3A_441 = arith.constant 3 : i32
      %scan3A_442 = arith.addi %scan3A_422, %scan3A_441 : i32
      %mul3A_443 = arith.constant 16 : i32
      %mul3A_444 = arith.muli %scan3A_442, %mul3A_443 : i32
      %get3A_445 = arith.index_cast %mul3A_444 : i32 to index
      %get3A_446 = tpu.vector_load %arg4[%get3A_445] {strides = array<i32>} : memref<100000xf32, #tpu.memory_space<vmem>>, vector<16xf32>,
      %max3A_447 = arith.maximumf %max3A_440, %get3A_446 : vector<16xf32>
      %scan3A_448 = arith.constant 4 : i32
      %scan3A_449 = arith.addi %scan3A_422, %scan3A_448 : i32
      %mul3A_450 = arith.constant 16 : i32
      %mul3A_451 = arith.muli %scan3A_449, %mul3A_450 : i32
      %get3A_452 = arith.index_cast %mul3A_451 : i32 to index
      %get3A_453 = tpu.vector_load %arg4[%get3A_452] {strides = array<i32>} : memref<100000xf32, #tpu.memory_space<vmem>>, vector<16xf32>,
      %max3A_454 = arith.maximumf %max3A_447, %get3A_453 : vector<16xf32>
      scf.yield %max3A_454 : vector<16xf32>
    }
    %scan3A_337 = arith.constant 6250 : i32
    %reduce_max3A_338 = arith.constant true
    %reduce_max3A_339 = vector.broadcast %reduce_max3A_338 : i1 to vector<16xi1>
    %reduce_max3A_340 = tpu.scan <max>, %scan3A_336 masked %reduce_max3A_339 : vector<16xf32>, vector<16xi1> -> vector<16xf32>
    %reduce_max3A_341 = vector.extract %reduce_max3A_340[15] : f32 from vector<16xf32>
    %broadcast_in_dim3A_342 = vector.broadcast %reduce_max3A_341 : f32 to vector<16xf32>
    %broadcast_in_dim3A_343 = arith.constant 0.000000e+00 : f32
    %broadcast_in_dim3A_344 = vector.broadcast %broadcast_in_dim3A_343 : f32 to vector<16xf32>
    %scan3A_345 = arith.constant 0 : i32
    %scan3A_346 = arith.constant 6250 : i32
    %scan3A_347 = arith.addi %scan3A_345, %scan3A_346 : i32
    %scan3A_348 = arith.constant 5 : i32
    %scan3A_349 = scf.for %scan3A_422 = %scan3A_345 to %scan3A_347 step %scan3A_348 iter_args(%scan3A_423 = %broadcast_in_dim3A_344) -> (vector<16xf32>)  : i32 {
      %mul3A_424 = arith.constant 16 : i32
      %mul3A_425 = arith.muli %scan3A_422, %mul3A_424 : i32
      %get3A = arith.index_cast %mul3A_425 : i32 to index
      %get3A_426 = tpu.vector_load %arg4[%get3A] {strides = array<i32>} : memref<100000xf32, #tpu.memory_space<vmem>>, vector<16xf32>,
      %sub3A_427 = arith.subf %get3A_426, %broadcast_in_dim3A_342 : vector<16xf32>
      %exp3A_428 = math.exp %sub3A_427 : vector<16xf32>
      %add3A_429 = arith.addf %scan3A_423, %exp3A_428 : vector<16xf32>
      %scan3A_430 = arith.constant 1 : i32
      %scan3A_431 = arith.addi %scan3A_422, %scan3A_430 : i32
      %mul3A_432 = arith.constant 16 : i32
      %mul3A_433 = arith.muli %scan3A_431, %mul3A_432 : i32
      %get3A_434 = arith.index_cast %mul3A_433 : i32 to index
      %get3A_435 = tpu.vector_load %arg4[%get3A_434] {strides = array<i32>} : memref<100000xf32, #tpu.memory_space<vmem>>, vector<16xf32>,
      %sub3A_436 = arith.subf %get3A_435, %broadcast_in_dim3A_342 : vector<16xf32>
      %exp3A_437 = math.exp %sub3A_436 : vector<16xf32>
      %add3A_438 = arith.addf %add3A_429, %exp3A_437 : vector<16xf32>
      %scan3A_439 = arith.constant 2 : i32
      %scan3A_440 = arith.addi %scan3A_422, %scan3A_439 : i32
      %mul3A_441 = arith.constant 16 : i32
      %mul3A_442 = arith.muli %scan3A_440, %mul3A_441 : i32
      %get3A_443 = arith.index_cast %mul3A_442 : i32 to index
      %get3A_444 = tpu.vector_load %arg4[%get3A_443] {strides = array<i32>} : memref<100000xf32, #tpu.memory_space<vmem>>, vector<16xf32>,
      %sub3A_445 = arith.subf %get3A_444, %broadcast_in_dim3A_342 : vector<16xf32>
      %exp3A_446 = math.exp %sub3A_445 : vector<16xf32>
      %add3A_447 = arith.addf %add3A_438, %exp3A_446 : vector<16xf32>
      %scan3A_448 = arith.constant 3 : i32
      %scan3A_449 = arith.addi %scan3A_422, %scan3A_448 : i32
      %mul3A_450 = arith.constant 16 : i32
      %mul3A_451 = arith.muli %scan3A_449, %mul3A_450 : i32
      %get3A_452 = arith.index_cast %mul3A_451 : i32 to index
      %get3A_453 = tpu.vector_load %arg4[%get3A_452] {strides = array<i32>} : memref<100000xf32, #tpu.memory_space<vmem>>, vector<16xf32>,
      %sub3A_454 = arith.subf %get3A_453, %broadcast_in_dim3A_342 : vector<16xf32>
      %exp3A_455 = math.exp %sub3A_454 : vector<16xf32>
      %add3A_456 = arith.addf %add3A_447, %exp3A_455 : vector<16xf32>
      %scan3A_457 = arith.constant 4 : i32
      %scan3A_458 = arith.addi %scan3A_422, %scan3A_457 : i32
      %mul3A_459 = arith.constant 16 : i32
      %mul3A_460 = arith.muli %scan3A_458, %mul3A_459 : i32
      %get3A_461 = arith.index_cast %mul3A_460 : i32 to index
      %get3A_462 = tpu.vector_load %arg4[%get3A_461] {strides = array<i32>} : memref<100000xf32, #tpu.memory_space<vmem>>, vector<16xf32>,
      %sub3A_463 = arith.subf %get3A_462, %broadcast_in_dim3A_342 : vector<16xf32>
      %exp3A_464 = math.exp %sub3A_463 : vector<16xf32>
      %add3A_465 = arith.addf %add3A_456, %exp3A_464 : vector<16xf32>
      scf.yield %add3A_465 : vector<16xf32>
    }
    %scan3A_350 = arith.constant 6250 : i32
    %reduce_sum3A_351 = arith.constant true
    %reduce_sum3A_352 = vector.broadcast %reduce_sum3A_351 : i1 to vector<16xi1>
    %reduce_sum3A_353 = tpu.scan <sum>, %scan3A_349 masked %reduce_sum3A_352 : vector<16xf32>, vector<16xi1> -> vector<16xf32>
    %reduce_sum3A_354 = vector.extract %reduce_sum3A_353[15] : f32 from vector<16xf32>
    %broadcast_in_dim3A_355 = vector.broadcast %reduce_sum3A_354 : f32 to vector<16xf32>
    %bitcast3A_356 = vector.bitcast %broadcast_in_dim3A_355 : vector<16xf32> to vector<16xi32>
    %convert_element_type3A_357 = arith.sitofp %bitcast3A_356 : vector<16xi32> to vector<16xf32>
    %mul3A_358 = arith.constant 1.1920929E-7 : f32
    %mul3A_359 = vector.broadcast %mul3A_358 : f32 to vector<16xf32>
    %mul3A_360 = arith.mulf %convert_element_type3A_357, %mul3A_359 : vector<16xf32>
    %sub3A_361 = arith.constant 126.956993 : f32
    %sub3A_362 = vector.broadcast %sub3A_361 : f32 to vector<16xf32>
    %sub3A_363 = arith.subf %mul3A_360, %sub3A_362 : vector<16xf32>
    %mul3A_364 = arith.constant 0.693147182 : f32
    %mul3A_365 = vector.broadcast %mul3A_364 : f32 to vector<16xf32>
    %mul3A_366 = arith.mulf %sub3A_363, %mul3A_365 : vector<16xf32>
    %neg3A_367 = arith.constant 0.000000e+00 : f32
    %neg3A_368 = vector.broadcast %neg3A_367 : f32 to vector<16xf32>
    %neg3A_369 = arith.subf %neg3A_368, %mul3A_366 : vector<16xf32>
    %exp3A_370 = math.exp %neg3A_369 : vector<16xf32>
    %mul3A_371 = arith.mulf %broadcast_in_dim3A_355, %exp3A_370 : vector<16xf32>
    %add3A_372 = arith.addf %mul3A_366, %mul3A_371 : vector<16xf32>
    %sub3A_373 = arith.constant 1.000000e+00 : f32
    %sub3A_374 = vector.broadcast %sub3A_373 : f32 to vector<16xf32>
    %sub3A_375 = arith.subf %add3A_372, %sub3A_374 : vector<16xf32>
    %neg3A_376 = arith.constant 0.000000e+00 : f32
    %neg3A_377 = vector.broadcast %neg3A_376 : f32 to vector<16xf32>
    %neg3A_378 = arith.subf %neg3A_377, %sub3A_375 : vector<16xf32>
    %exp3A_379 = math.exp %neg3A_378 : vector<16xf32>
    %mul3A_380 = arith.mulf %broadcast_in_dim3A_355, %exp3A_379 : vector<16xf32>
    %add3A_381 = arith.addf %sub3A_375, %mul3A_380 : vector<16xf32>
    %sub3A_382 = arith.constant 1.000000e+00 : f32
    %sub3A_383 = vector.broadcast %sub3A_382 : f32 to vector<16xf32>
    %sub3A_384 = arith.subf %add3A_381, %sub3A_383 : vector<16xf32>
    %neg3A_385 = arith.constant 0.000000e+00 : f32
    %neg3A_386 = vector.broadcast %neg3A_385 : f32 to vector<16xf32>
    %neg3A_387 = arith.subf %neg3A_386, %sub3A_384 : vector<16xf32>
    %exp3A_388 = math.exp %neg3A_387 : vector<16xf32>
    %mul3A_389 = arith.mulf %broadcast_in_dim3A_355, %exp3A_388 : vector<16xf32>
    %add3A_390 = arith.addf %sub3A_384, %mul3A_389 : vector<16xf32>
    %sub3A_391 = arith.constant 1.000000e+00 : f32
    %sub3A_392 = vector.broadcast %sub3A_391 : f32 to vector<16xf32>
    %sub3A_393 = arith.subf %add3A_390, %sub3A_392 : vector<16xf32>
    %neg3A_394 = arith.constant 0.000000e+00 : f32
    %neg3A_395 = vector.broadcast %neg3A_394 : f32 to vector<16xf32>
    %neg3A_396 = arith.subf %neg3A_395, %sub3A_393 : vector<16xf32>
    %exp3A_397 = math.exp %neg3A_396 : vector<16xf32>
    %mul3A_398 = arith.mulf %broadcast_in_dim3A_355, %exp3A_397 : vector<16xf32>
    %add3A_399 = arith.addf %sub3A_393, %mul3A_398 : vector<16xf32>
    %sub3A_400 = arith.constant 1.000000e+00 : f32
    %sub3A_401 = vector.broadcast %sub3A_400 : f32 to vector<16xf32>
    %sub3A_402 = arith.subf %add3A_399, %sub3A_401 : vector<16xf32>
    %add3A_403 = arith.addf %sub3A_402, %broadcast_in_dim3A_342 : vector<16xf32>
    %scan3A_404 = arith.constant 0 : i32
    %scan3A_405 = arith.constant 0 : i32
    %scan3A_406 = arith.constant 6250 : i32
    %scan3A_407 = arith.addi %scan3A_405, %scan3A_406 : i32
    %scan3A_408 = arith.constant 5 : i32
    scf.for %scan3A_422 = %scan3A_405 to %scan3A_407 step %scan3A_408  : i32 {
      %mul3A_423 = arith.constant 16 : i32
      %mul3A_424 = arith.muli %scan3A_422, %mul3A_423 : i32
      %get3A = arith.index_cast %mul3A_424 : i32 to index
      %get3A_425 = tpu.vector_load %arg4[%get3A] {strides = array<i32>} : memref<100000xf32, #tpu.memory_space<vmem>>, vector<16xf32>,
      %sub3A_426 = arith.subf %get3A_425, %add3A_403 : vector<16xf32>
      %swap3A = arith.index_cast %mul3A_424 : i32 to index
      %swap3A_427 = tpu.vector_load %arg4[%swap3A] {strides = array<i32>} : memref<100000xf32, #tpu.memory_space<vmem>>, vector<16xf32>,
      tpu.vector_store %arg4[%swap3A], %sub3A_426 {strides = array<i32>} : memref<100000xf32, #tpu.memory_space<vmem>>, vector<16xf32>,
      %scan3A_428 = arith.constant 1 : i32
      %scan3A_429 = arith.addi %scan3A_422, %scan3A_428 : i32
      %mul3A_430 = arith.constant 16 : i32
      %mul3A_431 = arith.muli %scan3A_429, %mul3A_430 : i32
      %get3A_432 = arith.index_cast %mul3A_431 : i32 to index
      %get3A_433 = tpu.vector_load %arg4[%get3A_432] {strides = array<i32>} : memref<100000xf32, #tpu.memory_space<vmem>>, vector<16xf32>,
      %sub3A_434 = arith.subf %get3A_433, %add3A_403 : vector<16xf32>
      %swap3A_435 = arith.index_cast %mul3A_431 : i32 to index
      %swap3A_436 = tpu.vector_load %arg4[%swap3A_435] {strides = array<i32>} : memref<100000xf32, #tpu.memory_space<vmem>>, vector<16xf32>,
      tpu.vector_store %arg4[%swap3A_435], %sub3A_434 {strides = array<i32>} : memref<100000xf32, #tpu.memory_space<vmem>>, vector<16xf32>,
      %scan3A_437 = arith.constant 2 : i32
      %scan3A_438 = arith.addi %scan3A_422, %scan3A_437 : i32
      %mul3A_439 = arith.constant 16 : i32
      %mul3A_440 = arith.muli %scan3A_438, %mul3A_439 : i32
      %get3A_441 = arith.index_cast %mul3A_440 : i32 to index
      %get3A_442 = tpu.vector_load %arg4[%get3A_441] {strides = array<i32>} : memref<100000xf32, #tpu.memory_space<vmem>>, vector<16xf32>,
      %sub3A_443 = arith.subf %get3A_442, %add3A_403 : vector<16xf32>
      %swap3A_444 = arith.index_cast %mul3A_440 : i32 to index
      %swap3A_445 = tpu.vector_load %arg4[%swap3A_444] {strides = array<i32>} : memref<100000xf32, #tpu.memory_space<vmem>>, vector<16xf32>,
      tpu.vector_store %arg4[%swap3A_444], %sub3A_443 {strides = array<i32>} : memref<100000xf32, #tpu.memory_space<vmem>>, vector<16xf32>,
      %scan3A_446 = arith.constant 3 : i32
      %scan3A_447 = arith.addi %scan3A_422, %scan3A_446 : i32
      %mul3A_448 = arith.constant 16 : i32
      %mul3A_449 = arith.muli %scan3A_447, %mul3A_448 : i32
      %get3A_450 = arith.index_cast %mul3A_449 : i32 to index
      %get3A_451 = tpu.vector_load %arg4[%get3A_450] {strides = array<i32>} : memref<100000xf32, #tpu.memory_space<vmem>>, vector<16xf32>,
      %sub3A_452 = arith.subf %get3A_451, %add3A_403 : vector<16xf32>
      %swap3A_453 = arith.index_cast %mul3A_449 : i32 to index
      %swap3A_454 = tpu.vector_load %arg4[%swap3A_453] {strides = array<i32>} : memref<100000xf32, #tpu.memory_space<vmem>>, vector<16xf32>,
      tpu.vector_store %arg4[%swap3A_453], %sub3A_452 {strides = array<i32>} : memref<100000xf32, #tpu.memory_space<vmem>>, vector<16xf32>,
      %scan3A_455 = arith.constant 4 : i32
      %scan3A_456 = arith.addi %scan3A_422, %scan3A_455 : i32
      %mul3A_457 = arith.constant 16 : i32
      %mul3A_458 = arith.muli %scan3A_456, %mul3A_457 : i32
      %get3A_459 = arith.index_cast %mul3A_458 : i32 to index
      %get3A_460 = tpu.vector_load %arg4[%get3A_459] {strides = array<i32>} : memref<100000xf32, #tpu.memory_space<vmem>>, vector<16xf32>,
      %sub3A_461 = arith.subf %get3A_460, %add3A_403 : vector<16xf32>
      %swap3A_462 = arith.index_cast %mul3A_458 : i32 to index
      %swap3A_463 = tpu.vector_load %arg4[%swap3A_462] {strides = array<i32>} : memref<100000xf32, #tpu.memory_space<vmem>>, vector<16xf32>,
      tpu.vector_store %arg4[%swap3A_462], %sub3A_461 {strides = array<i32>} : memref<100000xf32, #tpu.memory_space<vmem>>, vector<16xf32>,
    }
    %scan3A_409 = arith.constant 6250 : i32
    %dma_start3A_410 = arith.constant 0 : i32
    %dma_start3A_411 = tpu.memref_slice %arg3[%add3A_317, %dma_start3A_410] : memref<128x100000xf32, #tpu.memory_space<hbm>> -> memref<1x100000xf32, #tpu.memory_space<hbm>>
    %dma_start3A_412 = tpu.memref_squeeze %dma_start3A_411 : memref<1x100000xf32, #tpu.memory_space<hbm>> -> memref<100000xf32, #tpu.memory_space<hbm>>
    %dma_start3A_413 = arith.constant 0 : i32
    %dma_start3A_414 = tpu.memref_slice %arg3[%add3A_317, %dma_start3A_413] : memref<128x100000xf32, #tpu.memory_space<hbm>> -> memref<1x100000xf32, #tpu.memory_space<hbm>>
    %dma_start3A_415 = tpu.memref_squeeze %dma_start3A_414 : memref<1x100000xf32, #tpu.memory_space<hbm>> -> memref<100000xf32, #tpu.memory_space<hbm>>
    tpu.enqueue_dma source(%arg4 : memref<100000xf32, #tpu.memory_space<vmem>>) target(%dma_start3A_415 : memref<100000xf32, #tpu.memory_space<hbm>>) target_semaphore(%arg6 : memref<!tpu.dma_semaphore, #tpu.memory_space<semaphore_mem>>)
    %dma_wait3A_416 = arith.constant 0 : i32
    %dma_wait3A_417 = tpu.memref_slice %arg3[%add3A_317, %dma_wait3A_416] : memref<128x100000xf32, #tpu.memory_space<hbm>> -> memref<1x100000xf32, #tpu.memory_space<hbm>>
    %dma_wait3A_418 = tpu.memref_squeeze %dma_wait3A_417 : memref<1x100000xf32, #tpu.memory_space<hbm>> -> memref<100000xf32, #tpu.memory_space<hbm>>
    %dma_wait3A_419 = arith.constant 0 : i32
    %dma_wait3A_420 = tpu.memref_slice %arg3[%add3A_317, %dma_wait3A_419] : memref<128x100000xf32, #tpu.memory_space<hbm>> -> memref<1x100000xf32, #tpu.memory_space<hbm>>
    %dma_wait3A_421 = tpu.memref_squeeze %dma_wait3A_420 : memref<1x100000xf32, #tpu.memory_space<hbm>> -> memref<100000xf32, #tpu.memory_space<hbm>>
    tpu.wait_dma2 semaphore(%arg6 : memref<!tpu.dma_semaphore, #tpu.memory_space<semaphore_mem>>) src(%arg4 : memref<100000xf32, #tpu.memory_space<vmem>>) dst(%dma_wait3A_421 : memref<100000xf32, #tpu.memory_space<hbm>>)
    return
  }
}

</mosaic_0001>

<sc_bundles>
// kernel: kernel.3.cloned.1.call-start
scs
__scs_entry_jumppad:
0x0: {  	(pc) =	sbr.rel $0x88, $3  }
0x1: {  	(tag) =	ssettag $0x0;
	lr =	simm.s32 $0x1  }
0x2: {  	[smem:$0x3FA0] =	sst lr;
	_ =	strace $0xD0000000  }
0x3: {  	_ = 	snop  }
0x4: {  	_ = 	snop  }
0x5: {  	_ = 	snop  }
0x6: {  	_ = 	snop  }
0x7: {  	_ = 	snop  }
__scs_overlays_trampoline_lowered:
0x8: {  	[smem:$0x3FAF] =	sst s0  }
0x9: {  	[smem:$0x3FB0] =	sst s1  }
0xa: {  	[smem:$0x3FB1] =	sst s2  }
0xb: {  	[smem:$0x3FB2] =	sst s3  }
0xc: {  	[smem:$0x3FB3] =	sst s4  }
0xd: {  	[smem:$0x3FB4] =	sst s5  }
0xe: {  	[smem:$0x3FB5] =	sst s6  }
0xf: {  	[smem:$0x3FB6] =	sst s7  }
0x10: {  	[smem:$0x3FB7] =	sst s8  }
0x11: {  	[smem:$0x3FB8] =	sst s9;
	s0 =	simm.s32 @!p0 $0x0  }
0x12: {  	s1 =	sld [smem:$0x3F9E];
	s0 =	simm.s32 @p0 $0x1  }
0x13: {  	[smem:$0x3FB9] =	sst s0;
	s0 =	simm.s32 @!p1 $0x0  }
0x14: {  	s2 =	sld [smem:$0x3F9D];
	s0 =	simm.s32 @p1 $0x1  }
0x15: {  	[smem:$0x3FBA] =	sst s0;
	s0 =	simm.s32 @!p2 $0x0  }
0x16: {  	s3 =	sld [smem:$0x3FDB];
	s0 =	simm.s32 @p2 $0x1  }
0x17: {  	s4 =	simm.s32 $0x1BF5;
	[smem:$0x3FBC] =	sst s0  }
0x18: {  	s0 =	sld [smem:$0x3F9F];
	_ =	swait.ge [sflag:s4], $0x0  }
0x19: {  	s7 =	sld [smem:$0x3FA0]  }
0x1a: {  	s8 =	sadd.s32 $0xFFFFE003, lr  }
0x1b: {  	s9 =	sadd.s32 $0xFFFFFEF7, lr;
	s5 =	simm.s32 $0xFFFFFFFF;
	p2 =	slt.u32 s8, $0xFFFFF086  }
0x1c: {  	p1 =	slt.u32 s9, $0xF7A;
	s5 =	simm.s32 @!p2 $0x0  }
0x1d: {  	s5 =	simm.s32 @p1 $0x1;
	p0 =	seq.s32 s7, s2  }
0x1e: {  	s7 =	smul.u32 @!p0 $0xF7A, s2;
	p2 =	seq.s32 @!p0 s5, $0x0  }
0x1f: {  	s9 =	smul.u32 $0xF7A, s1;
	s8 =	simm.s32 @!p0 $0x1BF5;
	p2 =	por !p2, p0  }
0x20: {  	[sflag:s8] =	ssyncset.s32 @!p0 $0xFFFFF086;
	s6 =	sadd.s32 @!p0 s3, s7;
	s7 =	simm.s32 @!p0 $0x108  }
0x21: {  	s3 =	sadd.s32 s3, s9;
	s6 =	sadd.s32 @!p0 $0x88, s6;
	s7 =	simm.s32 @p2 $0x1082  }
0x22: {  	[simem:s7], [sflag:s8] =	dma.local @!p0 [hbm:s6], $0xF7A  }
0x23: {  	s9 =	sor.u32 $0xD0000000, s2;
	s6 =	simm.s32 $0x108;
	_ =	swait.ge @!p0 [sflag:s8], $0x0  }
0x24: {  	s3 =	sadd.s32 $0x88, s3;
	s6 =	simm.s32 @!p1 $0x1082;
	[sflag:s4] =	ssyncset.s32 $0xFFFFF086  }
0x25: {  	[simem:s6], [sflag:s4] =	dma.local [hbm:s3], $0xF7A  }
0x26: {  	[smem:$0x3FA0] =	sst s1;
	(tag) =	ssettag s2;
	_ =	strace s9  }
0x27: {  	s1 =	sld [smem:$0x3FB0]  }
0x28: {  	s2 =	sld [smem:$0x3FB1]  }
0x29: {  	s4 =	sld [smem:$0x3FB3]  }
0x2a: {  	p0 =	seq.s32 s5, $0x0;
	s5 =	sld [smem:$0x3FB4]  }
0x2b: {  	s6 =	sld [smem:$0x3FB5]  }
0x2c: {  	s7 =	sld [smem:$0x3FB6]  }
0x2d: {  	s3 =	simm.s32 $0x108;
	s8 =	sld [smem:$0x3FB7]  }
0x2e: {  	s3 =	simm.s32 @!p0 $0x1082;
	s9 =	sld [smem:$0x3FB8]  }
0x2f: {  	lr =	sadd.s32 s0, s3;
	s0 =	sld [smem:$0x3FAF]  }
0x30: {  	s3 =	sld [smem:$0x3FB2]  }
0x31: {  	[smem:$0x3FBB] =	sst s10  }
0x32: {  	s10 =	sld [smem:$0x3FB9];
	_ =	sdelay $0x3  }
0x33: {  	p0 =	seq.s32 s10, $0x1;
	s10 =	sld [smem:$0x3FBB];
	_ =	sdelay $0x3  }
0x34: {  	[smem:$0x3FBB] =	sst s10  }
0x35: {  	s10 =	sld [smem:$0x3FBA];
	_ =	sdelay $0x3  }
0x36: {  	p1 =	seq.s32 s10, $0x1;
	s10 =	sld [smem:$0x3FBB];
	_ =	sdelay $0x3  }
0x37: {  	[smem:$0x3FBB] =	sst s10  }
0x38: {  	s10 =	sld [smem:$0x3FBC]  }
0x39: {  	_ = 	snop;
	(pc) =	sbr.ind lr, $3  }
0x3a: {  	_ = 	snop  }
0x3b: {  	_ = 	snop  }
0x3c: {  	p2 =	seq.s32 s10, $0x1;
	s10 =	sld [smem:$0x3FBB]  }
0x3d: {  	_ =	shalt  }
0x3e: {  	_ =	shalt  }
0x3f: {  	_ =	shalt  }
0x40: {  	_ =	shalt  }
0x41: {  	_ =	shalt  }
0x42: {  	_ =	shalt  }
0x43: {  	_ =	shalt  }
0x44: {  	_ =	shalt  }
0x45: {  	_ =	shalt  }
0x46: {  	_ =	shalt  }
0x47: {  	_ =	shalt  }
0x48: {  	_ =	shalt  }
0x49: {  	_ =	shalt  }
0x4a: {  	_ =	shalt  }
0x4b: {  	_ =	shalt  }
0x4c: {  	_ =	shalt  }
0x4d: {  	_ =	shalt  }
0x4e: {  	_ =	shalt  }
0x4f: {  	_ =	shalt  }
0x50: {  	_ =	shalt  }
0x51: {  	_ =	shalt  }
0x52: {  	_ =	shalt  }
0x53: {  	_ =	shalt  }
0x54: {  	_ =	shalt  }
0x55: {  	_ =	shalt  }
0x56: {  	_ =	shalt  }
0x57: {  	_ =	shalt  }
0x58: {  	_ =	shalt  }
0x59: {  	_ =	shalt  }
0x5a: {  	_ =	shalt  }
0x5b: {  	_ =	shalt  }
0x5c: {  	_ =	shalt  }
0x5d: {  	_ =	shalt  }
0x5e: {  	_ =	shalt  }
0x5f: {  	_ =	shalt  }
0x60: {  	_ =	shalt  }
0x61: {  	_ =	shalt  }
0x62: {  	_ =	shalt  }
0x63: {  	_ =	shalt  }
0x64: {  	_ =	shalt  }
0x65: {  	_ =	shalt  }
0x66: {  	_ =	shalt  }
0x67: {  	_ =	shalt  }
0x68: {  	_ =	shalt  }
0x69: {  	_ =	shalt  }
0x6a: {  	_ =	shalt  }
0x6b: {  	_ =	shalt  }
0x6c: {  	_ =	shalt  }
0x6d: {  	_ =	shalt  }
0x6e: {  	_ =	shalt  }
0x6f: {  	_ =	shalt  }
0x70: {  	_ =	shalt  }
0x71: {  	_ =	shalt  }
0x72: {  	_ =	shalt  }
0x73: {  	_ =	shalt  }
0x74: {  	_ =	shalt  }
0x75: {  	_ =	shalt  }
0x76: {  	_ =	shalt  }
0x77: {  	_ =	shalt  }
0x78: {  	_ =	shalt  }
0x79: {  	_ =	shalt  }
0x7a: {  	_ =	shalt  }
0x7b: {  	_ =	shalt  }
0x7c: {  	_ =	shalt  }
0x7d: {  	_ =	shalt  }
0x7e: {  	_ =	shalt  }
0x7f: {  	_ =	shalt  }
0x80: {  	_ =	shalt  }
0x81: {  	_ =	shalt  }
0x82: {  	_ =	shalt  }
0x83: {  	_ =	shalt  }
0x84: {  	_ =	shalt  }
0x85: {  	_ =	shalt  }
0x86: {  	_ =	shalt  }
0x87: {  	_ =	shalt  }
.Lfunc_end0:
.L_simem_size_0:
called_computation_lowered:
.L_overlay_start_0:
0x88: {  	s2 =	sld [smem:$0x3FD9]  }
0x89: {  	s3 =	sld [smem:$0x3FFE];
	_ =	sdelay $0x1  }
0x8a: {  	s1 =	srdreg.scid  }
0x8b: {  	s0 =	sand.u32 $0x1, s1  }
0x8c: {  	s16 =	sshll.u32 s0, $0xA;
	s2 =	sadd.s32 s3, s2  }
0x8d: {  	s2 =	sadd.s32 s2, s16  }
0x8e: {  	[smem:$0x3FC7] =	sst s2  }
0x8f: {  	_ = 	snop  }
0x90: {  	(tm) =	ssettm $0x1  }
0x91: {  	s17 =	sld [smem:$0x3FFB];
	_ =	sdelay $0x3  }
0x92: {  	_ =	strace s17  }
0x93: {  	s2 =	sld [smem:$0x3FFC];
	_ =	sdelay $0x3  }
0x94: {  	_ =	strace s2  }
0x95: {  	s2 =	sld [smem:$0x3FFD];
	_ =	sdelay $0x3  }
0x96: {  	_ =	strace s2  }
0x97: {  	_ =	strace $0x8FFFFFFF  }
0x98: {  	s18 =	sld [smem:$0x3FDB];
	_ =	sdelay $0x1  }
0x99: {  	s19 =	simm.s32 $_scs_section_size  }
0x9a: {  	s4 =	simm.s32 $_size__tile_overlayer_lowered;
	s5 =	simm.s32 $_tile_overlayer_lowered  }
0x9b: {  	s22 =	simm.s32 $0x1BFF;
	s21 =	sshll.u32 s5, $0x1;
	s2 =	sadd.s32 s19, s18  }
0x9c: {  	s6 =	simm.s32 $0x0;
	s20 =	sshll.u32 s4, $0x1;
	s4 =	sadd.s32 s21, s2  }
0x9d: {  	[timem:s6], [sflag:s22] =	dma.local [hbm:s4], s20  }
0x9e: {  	_ =	swait.ge [sflag:s22], s20  }
0x9f: {  	s3 =	ssub.s32 $0x0, s20;
	[sflag:s22] =	ssyncset.done $0x0  }
0xa0: {  	[sflag:s22] =	ssyncadd.s32 s3;
	_ =	sdelay $0x1  }
0xa1: {  	s23 =	simm.s32 $0x1B8B  }
0xa2: {  	_ =	swait.ge [sflag:s23], $0x1  }
0xa3: {  	[sflag:s23] =	ssyncset.done $0x0  }
0xa4: {  	s25 =	simm.s32 $0x1B8E;
	s24 =	sld [smem:$0x3FFE];
	[sflag:s23] =	ssyncadd.s32 $0xFFFFFFFF  }
0xa5: {  	s26 =	simm.s32 $execute0_lowered;
	[smem:$0x3FD2] =	sst s25  }
0xa6: {  	s4 =	sshll.u32 s26, $0x1;
	_ =	strace $0x80000046;
	[dreg:$0x1] =	wrdreg $0xFFFFFFFF  }
0xa7: {  	s28 =	simm.s32 $_size_execute0_lowered;
	s2 =	sadd.s32 s2, s4;
	[dreg:$0x0] =	wrdreg $0x0  }
0xa8: {  	s4 =	sshll.u32 s28, $0x1;
	[dreg:$0x2] =	wrdreg s2  }
0xa9: {  	[dreg:$0x3] =	wrdreg s4  }
0xaa: {  	[dreg:$0x4] =	wrdreg $0xC0  }
0xab: {  	_ =	task [dreg:s6], $0x5FFFF  }
0xac: {  	[dreg:$0x1] =	wrdreg $0xFFFFFFFF  }
0xad: {  	[dreg:$0x0] =	wrdreg $0x60  }
0xae: {  	[dreg:$0x2] =	wrdreg s24  }
0xaf: {  	[dreg:$0x3] =	wrdreg $0x9  }
0xb0: {  	_ =	task.clear_ibuf [dreg:s6], $0x4FFFF;
	_ =	strace $0x90000046  }
0xb1: {  	s29 =	simm.s32 $0x9;
	_ =	strace $0x80000048  }
0xb2: {  	_ =	swait.ge [sflag:s29], $0x1  }
0xb3: {  	[sflag:s29] =	ssyncadd.s32 $0xFFFFFFFF  }
0xb4: {  	_ =	strace $0x90000048  }
0xb5: {  	_ =	sfence  }
0xb6: {  	s30 =	sld [smem:$0x0];
	_ =	sdelay $0x2  }
0xb7: {  	s31 =	sshll.u32 s1, $0xD;
	s1 =	sshrl.u32 s1, $0x2  }
0xb8: {  	s3 =	sand.u32 $0x4000, s31;
	s1 =	sadd.s32 s1, s30  }
0xb9: {  	s0 =	sor.u32 s3, s0;
	s1 =	sshll.u32 s1, $0x11  }
0xba: {  	s0 =	sor.u32 s1, s0  }
0xbb: {  	s0 =	sadd.s32 $0x8F2B, s0  }
0xbc: {  	[sflag:s0] =	ssyncadd.remote.s32 $0x1  }
0xbd: {  	_ =	sfence.sel $0xFFFF  }
0xbe: {  	[dreg:$0x0] =	wrdreg $0xFFFFFFFF;
	(pc) =	sbr.abs _section_cstart, $3  }
0xbf: {  	[dreg:$0x1] =	wrdreg $0xFFFFFFFF  }
0xc0: {  	_ =	task.clear_ibuf [dreg:s6], $0x2FFFF;
	_ =	strace $0x9FFFFFFF  }
0xc1: {  	(tm) =	ssettm $0x7FFFFFFF  }
tec
execute0_lowered:
.L_overlay_start_1:
0x0: {  	(tag) =	ssettag $0x1  }
0x1: {  	s3 =	rddreg [dreg:$0x0]  }
0x2: {  	s0 =	rddreg [dreg:$0x1];
	s2 =	simm.s32 $0x0;
	s4 =	srdreg.scid  }
0x3: {  	s1 =	stileid.u32;
	s14 =	simm.s32 $0x1;
	s15 =	simm.s32 $0x2  }
0x4: {  	s16 =	simm.s32 $0x0;
	s4 =	sand.u32 $0x1, s4;
	s5 =	smul.u32 $0xC3800, s1  }
0x5: {  	[smem:$0x7FF] =	sst s2;
	s9 =	sadd.s32 $0x400, s3;
	s6 =	sshll.u32 s4, $0x9  }
0x6: {  	s10 =	sadd.s32 $0x187400, s3;
	s4 =	ssub.s32 $0x2, s4;
	s5 =	sor.u32 s6, s5  }
0x7: {  	_ =	strace $0x80000047;
	s30 =	sshrl.u32 s4, $0x1;
	s8 =	sshrl.u32 s5, $0x3  }
0x8: {  	s11 =	ssub.s32 s4, s30;
	s3 =	sadd.s32 s9, s8;
	s31 =	sor.u32 $0x10, s8  }
0x9: {  	s4 =	sadd.s32 s10, s8;
	s12 =	sor.u32 $0x20, s8;
	s13 =	sor.u32 $0x30, s8  }
0xa: {  	s11 =	smax.u32 s11, $0x1;
	s5 =	sadd.s32 s9, s31;
	s6 =	sadd.s32 s10, s31  }
0xb: {  	s7 =	sadd.s32 s9, s12;
	s8 =	sadd.s32 s10, s12;
	s9 =	sadd.s32 s9, s13  }
0xc: {  	s10 =	sadd.s32 s10, s13;
	s12 =	simm.s32 $0x80;
	s13 =	simm.s32 $0x400  }
.LBB2_1:
0xd: {  	[tilespmem:s2], [sflag:$0x1] =	stream.strided.gather [hbm4b:s3+s12], $0x18700, s13, s12, $0x38;
	[tilespmem:$0x18700] =	vst v63  }
0xe: {  	_ =	swait.ge [sflag:s14], $0x18700  }
0xf: {  	[sflag:s14] =	ssyncset.done $0x0  }
0x10: {  	s18 =	simm.s32 $0x20;
	[sflag:s14] =	ssyncadd.s32 $0xFFFE7900  }
0x11: {  	v1 =	vld [tilespmem:s18+$0xFFFFFFE0]  }
0x12: {  	v3 =	vld [tilespmem:s18+$0xFFFFFFF0]  }
0x13: {  	v4 =	vld [tilespmem:s18+$0x0]  }
0x14: {  	s17 =	simm.s32 $0x70;
	v5 =	vld [tilespmem:s18+$0x10]  }
0x15: {  	v6 =	vimm.f32 $-Inf;
	v0 =	vld [tilespmem:s17+$0x10]  }
0x16: {  	v2 =	vld [tilespmem:s18+$0x20];
	v6 =	vmax.f32 v6, v1  }
0x17: {  	v1 =	vld [tilespmem:s17+$0xFFFFFFE0];
	v6 =	vmax.f32 v6, v3  }
0x18: {  	v3 =	vld [tilespmem:s17+$0xFFFFFFF0];
	v6 =	vmax.f32 v6, v4  }
0x19: {  	s19 =	simm.s32 $0xC0;
	s18 =	simm.s32 $0x5;
	v4 =	vld [tilespmem:s17+$0x0];
	v5 =	vmax.f32 v6, v5  }
.LBB2_2:
0x1a: {  	s18 =	sadd.s32 $0x5, s18  }
0x1b: {  	v6 =	vld [tilespmem:s19+$0x10];
	v5 =	vmax.f32 v5, v2;
	p0 =	slt.u32 s18, $0x1865  }
.Ltmp0:
0x1c: {  	v2 =	vld [tilespmem:s17+$0x20];
	s17 =	smov.u32 s19;
	(pc) =	sbr.rel @p0 .LBB2_2-.Ltmp0, $4  }
0x1d: {  	v5 =	vmax.f32 v5, v1  }
0x1e: {  	v1 =	vld [tilespmem:s19+$0xFFFFFFE0];
	v5 =	vmax.f32 v5, v3  }
0x1f: {  	v3 =	vld [tilespmem:s19+$0xFFFFFFF0];
	v5 =	vmax.f32 v5, v4  }
0x20: {  	s19 =	sadd.s32 $0x50, s19;
	v4 =	vld [tilespmem:s17+$0x0];
	v5 =	vmax.f32 v5, v0;
	v0 =	vmov v6  }
0x21: {  	_ = 	snop  }
0x22: {  	v2 =	vmax.f32 v5, v2;
	v5 =	vld [tilespmem:s17+$0x20]  }
0x23: {  	v1 =	vmax.f32 v2, v1  }
0x24: {  	v1 =	vmax.f32 v1, v3  }
0x25: {  	v1 =	vmax.f32 v1, v4  }
0x26: {  	v0 =	vmax.f32 v1, v0  }
0x27: {  	v0 =	vmax.f32 v0, v5  }
0x28: {  	(xrf0) =	vmax.scan.msk.f32 $0xffff, v0;
	_ =	sdelay $0x2  }
0x29: {  	s31 =	simm.s32 $0x20  }
0x2a: {  	v1 =	vld [tilespmem:s31+$0xFFFFFFE0];
	_ =	sdelay $0x1  }
0x2b: {  	v0, _, _ =	vpop (xrf0)  }
0x2c: {  	v0 =	vbroadcast v0, $0xF  }
0x2d: {  	v2 =	vld [tilespmem:s31+$0xFFFFFFF0]  }
0x2e: {  	v1 =	vsub.f32 v1, v0  }
0x2f: {  	v3 =	vld [tilespmem:s31+$0x0]  }
0x30: {  	v1 =	vmul.f32 $1.442695020e+00, v1  }
0x31: {  	v4 =	vld [tilespmem:s31+$0x10]  }
0x32: {  	(erf) = vpow2.f32 v1;
	v1 =	vsub.f32 v2, v0  }
0x33: {  	v5 =	vld [tilespmem:s31+$0x20]  }
0x34: {  	s18 =	simm.s32 $0x70;
	v3 =	vsub.f32 v3, v0;
	v1 =	vmul.f32 $1.442695020e+00, v1  }
0x35: {  	v2 =	vld [tilespmem:s18+$0xFFFFFFE0]  }
0x36: {  	v4 =	vsub.f32 v4, v0;
	v3 =	vmul.f32 $1.442695020e+00, v3;
	(erf) = vpow2.f32 v1  }
0x37: {  	v6 =	vld [tilespmem:s18+$0xFFFFFFF0]  }
0x38: {  	v7 =	vld [tilespmem:s18+$0x0];
	v5 =	vsub.f32 v5, v0;
	v8 =	vmul.f32 $1.442695020e+00, v4;
	(erf) = vpow2.f32 v3;
	_ =	sdelay $0x1  }
0x39: {  	v1 =	vld [tilespmem:s18+$0x10];
	v2 =	vsub.f32 v2, v0;
	v3 =	vmul.f32 $1.442695020e+00, v5;
	(erf) = vpow2.f32 v8;
	_ =	sdelay $0x1  }
0x3a: {  	v5 =	vsub.f32 v6, v0;
	v6 =	vmul.f32 $1.442695020e+00, v2;
	v2 =	vld [tilespmem:s18+$0x20];
	(erf) = vpow2.f32 v3  }
0x3b: {  	s17 =	simm.s32 $0x5;
	v4 =	vimm.f32 $0.0e+00;
	v3 =	vsub.f32 v7, v0;
	s18 =	simm.s32 $0xC0;
	v7 =	vpop (erf)  }
.LBB2_4:
0x3c: {  	v8 =	vld [tilespmem:s18+$0xFFFFFFE0];
	v9 =	vmul.f32 $1.442695020e+00, v5;
	(erf) = vpow2.f32 v6;
	v4 =	vadd.f32 v7, v4  }
0x3d: {  	s17 =	sadd.s32 $0x5, s17;
	v1 =	vsub.f32 v1, v0;
	v6 =	vpop (erf)  }
0x3e: {  	p0 =	slt.u32 s17, $0x1865;
	v3 =	vmul.f32 $1.442695020e+00, v3;
	v7 =	vld [tilespmem:s18+$0xFFFFFFF0];
	(erf) = vpow2.f32 v9;
	v4 =	vadd.f32 v6, v4  }
0x3f: {  	v2 =	vsub.f32 v2, v0;
	v5 =	vpop (erf)  }
0x40: {  	v6 =	vmul.f32 $1.442695020e+00, v1;
	v9 =	vld [tilespmem:s18+$0x0];
	(erf) = vpow2.f32 v3;
	v3 =	vadd.f32 v5, v4  }
.Ltmp1:
0x41: {  	v4 =	vsub.f32 v8, v0;
	v5 =	vpop (erf);
	(pc) =	sbr.rel @p0 .LBB2_4-.Ltmp1, $4  }
0x42: {  	v8 =	vmul.f32 $1.442695020e+00, v2;
	v1 =	vld [tilespmem:s18+$0x10];
	(erf) = vpow2.f32 v6;
	v3 =	vadd.f32 v5, v3  }
0x43: {  	v5 =	vsub.f32 v7, v0;
	v7 =	vpop (erf)  }
0x44: {  	v6 =	vmul.f32 $1.442695020e+00, v4;
	v2 =	vld [tilespmem:s18+$0x20];
	(erf) = vpow2.f32 v8;
	v4 =	vadd.f32 v7, v3  }
0x45: {  	s18 =	sadd.s32 $0x50, s18;
	v3 =	vsub.f32 v9, v0;
	v7 =	vpop (erf)  }
0x46: {  	v5 =	vmul.f32 $1.442695020e+00, v5  }
0x47: {  	v4 =	vadd.f32 v7, v4  }
0x48: {  	(erf) = vpow2.f32 v6;
	v6 =	vpop (erf)  }
0x49: {  	v3 =	vmul.f32 $1.442695020e+00, v3;
	v4 =	vadd.f32 v6, v4  }
0x4a: {  	v1 =	vsub.f32 v1, v0;
	(erf) = vpow2.f32 v5;
	v5 =	vpop (erf)  }
0x4b: {  	v2 =	vsub.f32 v2, v0;
	(erf) = vpow2.f32 v3;
	v3 =	vadd.f32 v5, v4  }
0x4c: {  	v1 =	vmul.f32 $1.442695020e+00, v1  }
0x4d: {  	v2 =	vmul.f32 $1.442695020e+00, v2;
	v4 =	vpop (erf)  }
0x4e: {  	(erf) = vpow2.f32 v1;
	v1 =	vadd.f32 v4, v3  }
0x4f: {  	v3 =	vpop (erf)  }
0x50: {  	(erf) = vpow2.f32 v2;
	v1 =	vadd.f32 v3, v1  }
0x51: {  	v2 =	vpop (erf)  }
0x52: {  	v1 =	vadd.f32 v2, v1  }
0x53: {  	v2 =	vpop (erf)  }
0x54: {  	v1 =	vadd.f32 v2, v1  }
0x55: {  	v2 =	vpop (erf)  }
0x56: {  	v1 =	vadd.f32 v2, v1  }
0x57: {  	v2 =	vpop (erf)  }
0x58: {  	v1 =	vadd.f32 v2, v1  }
0x59: {  	v2 =	vpop (erf)  }
0x5a: {  	v1 =	vadd.f32 v2, v1;
	_ =	sdelay $0x1  }
0x5b: {  	(xrf2) =	vadd.scan.msk.f32 $0xffff, v1;
	_ =	sdelay $0x9  }
0x5c: {  	v1, _, _ =	vpop (xrf2)  }
0x5d: {  	v1 =	vbroadcast v1, $0xF;
	_ =	sdelay $0x1  }
0x5e: {  	v2 =	vcvt.s32.f32 v1;
	_ =	sdelay $0x1  }
0x5f: {  	v2 =	vmul.f32 $1.192092900e-07, v2;
	_ =	sdelay $0x1  }
0x60: {  	v2 =	vadd.f32 $-1.269569930e+02, v2;
	_ =	sdelay $0x1  }
0x61: {  	v2 =	vmul.f32 $6.931471820e-01, v2;
	_ =	sdelay $0x1  }
0x62: {  	v3 =	vsub.f32 $0.0e+00, v2;
	_ =	sdelay $0x1  }
0x63: {  	v3 =	vmul.f32 $1.442695020e+00, v3;
	_ =	sdelay $0x1  }
0x64: {  	(erf) = vpow2.f32 v3;
	_ =	sdelay $0x8  }
0x65: {  	v3 =	vpop (erf)  }
0x66: {  	v3 =	vmul.f32 v3, v1;
	_ =	sdelay $0x1  }
0x67: {  	v2 =	vadd.f32 v3, v2;
	_ =	sdelay $0x1  }
0x68: {  	v2 =	vadd.f32 $-1.000000000e+00, v2;
	_ =	sdelay $0x1  }
0x69: {  	v3 =	vsub.f32 $0.0e+00, v2;
	_ =	sdelay $0x1  }
0x6a: {  	v3 =	vmul.f32 $1.442695020e+00, v3;
	_ =	sdelay $0x1  }
0x6b: {  	(erf) = vpow2.f32 v3;
	_ =	sdelay $0x8  }
0x6c: {  	v3 =	vpop (erf)  }
0x6d: {  	v3 =	vmul.f32 v3, v1;
	_ =	sdelay $0x1  }
0x6e: {  	v2 =	vadd.f32 v3, v2;
	_ =	sdelay $0x1  }
0x6f: {  	v2 =	vadd.f32 $-1.000000000e+00, v2;
	_ =	sdelay $0x1  }
0x70: {  	v3 =	vsub.f32 $0.0e+00, v2;
	_ =	sdelay $0x1  }
0x71: {  	v3 =	vmul.f32 $1.442695020e+00, v3;
	_ =	sdelay $0x1  }
0x72: {  	(erf) = vpow2.f32 v3;
	_ =	sdelay $0x8  }
0x73: {  	v3 =	vpop (erf)  }
0x74: {  	v3 =	vmul.f32 v3, v1;
	_ =	sdelay $0x1  }
0x75: {  	v2 =	vadd.f32 v3, v2;
	_ =	sdelay $0x1  }
0x76: {  	v2 =	vadd.f32 $-1.000000000e+00, v2;
	_ =	sdelay $0x1  }
0x77: {  	v3 =	vsub.f32 $0.0e+00, v2;
	_ =	sdelay $0x1  }
0x78: {  	v3 =	vmul.f32 $1.442695020e+00, v3;
	_ =	sdelay $0x1  }
0x79: {  	(erf) = vpow2.f32 v3;
	_ =	sdelay $0x8  }
0x7a: {  	v3 =	vpop (erf)  }
0x7b: {  	v1 =	vmul.f32 v3, v1;
	_ =	sdelay $0x1  }
0x7c: {  	s17 =	simm.s32 $0x20;
	v1 =	vadd.f32 v1, v2  }
0x7d: {  	v2 =	vld [tilespmem:s17+$0xFFFFFFE0]  }
0x7e: {  	v1 =	vadd.f32 $-1.000000000e+00, v1  }
0x7f: {  	v3 =	vld [tilespmem:s17+$0x0]  }
0x80: {  	v5 =	vld [tilespmem:s17+$0x10];
	v0 =	vadd.f32 v1, v0  }
0x81: {  	v1 =	vld [tilespmem:s17+$0x20]  }
0x82: {  	v6 =	vsub.f32 v2, v0;
	v2 =	vld [tilespmem:s17+$0xFFFFFFF0];
	_ =	sdelay $0x1  }
0x83: {  	v4 =	vsub.f32 v3, v0  }
0x84: {  	s18 =	simm.s32 $0x0;
	s19 =	simm.s32 $0x70;
	v3 =	vsub.f32 v5, v0;
	[tilespmem:s17+$0xFFFFFFE0] =	vst v6  }
.LBB2_6:
0x85: {  	v5 =	vld [tilespmem:s19+$0xFFFFFFE0];
	[tilespmem:s17+$0x0] =	vst v4;
	v1 =	vsub.f32 v1, v0  }
0x86: {  	s18 =	sadd.s32 $0x5, s18;
	v4 =	vld [tilespmem:s19+$0x0];
	v2 =	vsub.f32 v2, v0;
	[tilespmem:s17+$0x10] =	vst v3  }
0x87: {  	p0 =	slt.u32 s18, $0x1865;
	v3 =	vld [tilespmem:s19+$0x10];
	[tilespmem:s17+$0x20] =	vst v1  }
.Ltmp2:
0x88: {  	v1 =	vld [tilespmem:s19+$0x20];
	[tilespmem:s17+$0xFFFFFFF0] =	vst v2;
	s17 =	smov.u32 s19;
	(pc) =	sbr.rel @p0 .LBB2_6-.Ltmp2, $4  }
0x89: {  	v2 =	vld [tilespmem:s19+$0xFFFFFFF0]  }
0x8a: {  	v5 =	vsub.f32 v5, v0  }
0x8b: {  	v4 =	vsub.f32 v4, v0  }
0x8c: {  	s19 =	sadd.s32 $0x50, s19;
	[tilespmem:s17+$0xFFFFFFE0] =	vst v5;
	v3 =	vsub.f32 v3, v0  }
0x8d: {  	[tilespmem:s17+$0x0] =	vst v4;
	v1 =	vsub.f32 v1, v0  }
0x8e: {  	v0 =	vsub.f32 v2, v0;
	[tilespmem:s17+$0x10] =	vst v3  }
0x8f: {  	[tilespmem:s17+$0x20] =	vst v1  }
0x90: {  	[tilespmem:s17+$0xFFFFFFF0] =	vst v0  }
0x91: {  	[hbm4b:s4+s12] =	stream.strided.scatter [tilespmem:s2], [sflag:$0x2], $0x18700, s13, s12, $0x38;
	[tilespmem:$0x18700] =	vst v63  }
0x92: {  	_ =	swait.ge [sflag:s15], $0x18700  }
0x93: {  	[sflag:s15] =	ssyncset.done $0x0  }
0x94: {  	[sflag:s15] =	ssyncadd.s32 $0xFFFE7900  }
0x95: {  	[tilespmem:s2], [sflag:$0x1] =	stream.strided.gather [hbm4b:s5+s12], $0x18700, s13, s12, $0x38;
	[tilespmem:$0x18700] =	vst v63  }
0x96: {  	_ =	swait.ge [sflag:s14], $0x18700  }
0x97: {  	[sflag:s14] =	ssyncset.done $0x0  }
0x98: {  	s18 =	simm.s32 $0x20;
	[sflag:s14] =	ssyncadd.s32 $0xFFFE7900  }
0x99: {  	v1 =	vld [tilespmem:s18+$0xFFFFFFE0]  }
0x9a: {  	v3 =	vld [tilespmem:s18+$0xFFFFFFF0]  }
0x9b: {  	v4 =	vld [tilespmem:s18+$0x0]  }
0x9c: {  	s17 =	simm.s32 $0x70;
	v5 =	vld [tilespmem:s18+$0x10]  }
0x9d: {  	v6 =	vimm.f32 $-Inf;
	v0 =	vld [tilespmem:s17+$0x10]  }
0x9e: {  	v2 =	vld [tilespmem:s18+$0x20];
	v6 =	vmax.f32 v6, v1  }
0x9f: {  	v1 =	vld [tilespmem:s17+$0xFFFFFFE0];
	v6 =	vmax.f32 v6, v3  }
0xa0: {  	v3 =	vld [tilespmem:s17+$0xFFFFFFF0];
	v6 =	vmax.f32 v6, v4  }
0xa1: {  	s19 =	simm.s32 $0xC0;
	s18 =	simm.s32 $0x5;
	v4 =	vld [tilespmem:s17+$0x0];
	v5 =	vmax.f32 v6, v5  }
.LBB2_8:
0xa2: {  	s18 =	sadd.s32 $0x5, s18  }
0xa3: {  	v6 =	vld [tilespmem:s19+$0x10];
	v5 =	vmax.f32 v5, v2;
	p0 =	slt.u32 s18, $0x1865  }
.Ltmp3:
0xa4: {  	v2 =	vld [tilespmem:s17+$0x20];
	s17 =	smov.u32 s19;
	(pc) =	sbr.rel @p0 .LBB2_8-.Ltmp3, $4  }
0xa5: {  	v5 =	vmax.f32 v5, v1  }
0xa6: {  	v1 =	vld [tilespmem:s19+$0xFFFFFFE0];
	v5 =	vmax.f32 v5, v3  }
0xa7: {  	v3 =	vld [tilespmem:s19+$0xFFFFFFF0];
	v5 =	vmax.f32 v5, v4  }
0xa8: {  	s19 =	sadd.s32 $0x50, s19;
	v4 =	vld [tilespmem:s17+$0x0];
	v5 =	vmax.f32 v5, v0;
	v0 =	vmov v6  }
0xa9: {  	_ = 	snop  }
0xaa: {  	v2 =	vmax.f32 v5, v2;
	v5 =	vld [tilespmem:s17+$0x20]  }
0xab: {  	v1 =	vmax.f32 v2, v1  }
0xac: {  	v1 =	vmax.f32 v1, v3  }
0xad: {  	v1 =	vmax.f32 v1, v4  }
0xae: {  	v0 =	vmax.f32 v1, v0  }
0xaf: {  	v0 =	vmax.f32 v0, v5  }
0xb0: {  	(xrf0) =	vmax.scan.msk.f32 $0xffff, v0;
	_ =	sdelay $0x2  }
0xb1: {  	s31 =	simm.s32 $0x20  }
0xb2: {  	v1 =	vld [tilespmem:s31+$0xFFFFFFE0];
	_ =	sdelay $0x1  }
0xb3: {  	v0, _, _ =	vpop (xrf0)  }
0xb4: {  	v0 =	vbroadcast v0, $0xF  }
0xb5: {  	v2 =	vld [tilespmem:s31+$0xFFFFFFF0]  }
0xb6: {  	v1 =	vsub.f32 v1, v0  }
0xb7: {  	v3 =	vld [tilespmem:s31+$0x0]  }
0xb8: {  	v1 =	vmul.f32 $1.442695020e+00, v1  }
0xb9: {  	v4 =	vld [tilespmem:s31+$0x10]  }
0xba: {  	(erf) = vpow2.f32 v1;
	v1 =	vsub.f32 v2, v0  }
0xbb: {  	v5 =	vld [tilespmem:s31+$0x20]  }
0xbc: {  	s18 =	simm.s32 $0x70;
	v3 =	vsub.f32 v3, v0;
	v1 =	vmul.f32 $1.442695020e+00, v1  }
0xbd: {  	v2 =	vld [tilespmem:s18+$0xFFFFFFE0]  }
0xbe: {  	v4 =	vsub.f32 v4, v0;
	v3 =	vmul.f32 $1.442695020e+00, v3;
	(erf) = vpow2.f32 v1  }
0xbf: {  	v6 =	vld [tilespmem:s18+$0xFFFFFFF0]  }
0xc0: {  	v7 =	vld [tilespmem:s18+$0x0];
	v5 =	vsub.f32 v5, v0;
	v8 =	vmul.f32 $1.442695020e+00, v4;
	(erf) = vpow2.f32 v3;
	_ =	sdelay $0x1  }
0xc1: {  	v1 =	vld [tilespmem:s18+$0x10];
	v2 =	vsub.f32 v2, v0;
	v3 =	vmul.f32 $1.442695020e+00, v5;
	(erf) = vpow2.f32 v8;
	_ =	sdelay $0x1  }
0xc2: {  	v5 =	vsub.f32 v6, v0;
	v6 =	vmul.f32 $1.442695020e+00, v2;
	v2 =	vld [tilespmem:s18+$0x20];
	(erf) = vpow2.f32 v3  }
0xc3: {  	s17 =	simm.s32 $0x5;
	v4 =	vimm.f32 $0.0e+00;
	v3 =	vsub.f32 v7, v0;
	s18 =	simm.s32 $0xC0;
	v7 =	vpop (erf)  }
.LBB2_10:
0xc4: {  	v8 =	vld [tilespmem:s18+$0xFFFFFFE0];
	v9 =	vmul.f32 $1.442695020e+00, v5;
	(erf) = vpow2.f32 v6;
	v4 =	vadd.f32 v7, v4  }
0xc5: {  	s17 =	sadd.s32 $0x5, s17;
	v1 =	vsub.f32 v1, v0;
	v6 =	vpop (erf)  }
0xc6: {  	p0 =	slt.u32 s17, $0x1865;
	v3 =	vmul.f32 $1.442695020e+00, v3;
	v7 =	vld [tilespmem:s18+$0xFFFFFFF0];
	(erf) = vpow2.f32 v9;
	v4 =	vadd.f32 v6, v4  }
0xc7: {  	v2 =	vsub.f32 v2, v0;
	v5 =	vpop (erf)  }
0xc8: {  	v6 =	vmul.f32 $1.442695020e+00, v1;
	v9 =	vld [tilespmem:s18+$0x0];
	(erf) = vpow2.f32 v3;
	v3 =	vadd.f32 v5, v4  }
.Ltmp4:
0xc9: {  	v4 =	vsub.f32 v8, v0;
	v5 =	vpop (erf);
	(pc) =	sbr.rel @p0 .LBB2_10-.Ltmp4, $4  }
0xca: {  	v8 =	vmul.f32 $1.442695020e+00, v2;
	v1 =	vld [tilespmem:s18+$0x10];
	(erf) = vpow2.f32 v6;
	v3 =	vadd.f32 v5, v3  }
0xcb: {  	v5 =	vsub.f32 v7, v0;
	v7 =	vpop (erf)  }
0xcc: {  	v6 =	vmul.f32 $1.442695020e+00, v4;
	v2 =	vld [tilespmem:s18+$0x20];
	(erf) = vpow2.f32 v8;
	v4 =	vadd.f32 v7, v3  }
0xcd: {  	s18 =	sadd.s32 $0x50, s18;
	v3 =	vsub.f32 v9, v0;
	v7 =	vpop (erf)  }
0xce: {  	v5 =	vmul.f32 $1.442695020e+00, v5  }
0xcf: {  	v4 =	vadd.f32 v7, v4  }
0xd0: {  	(erf) = vpow2.f32 v6;
	v6 =	vpop (erf)  }
0xd1: {  	v3 =	vmul.f32 $1.442695020e+00, v3;
	v4 =	vadd.f32 v6, v4  }
0xd2: {  	v1 =	vsub.f32 v1, v0;
	(erf) = vpow2.f32 v5;
	v5 =	vpop (erf)  }
0xd3: {  	v2 =	vsub.f32 v2, v0;
	(erf) = vpow2.f32 v3;
	v3 =	vadd.f32 v5, v4  }
0xd4: {  	v1 =	vmul.f32 $1.442695020e+00, v1  }
0xd5: {  	v2 =	vmul.f32 $1.442695020e+00, v2;
	v4 =	vpop (erf)  }
0xd6: {  	(erf) = vpow2.f32 v1;
	v1 =	vadd.f32 v4, v3  }
0xd7: {  	v3 =	vpop (erf)  }
0xd8: {  	(erf) = vpow2.f32 v2;
	v1 =	vadd.f32 v3, v1  }
0xd9: {  	v2 =	vpop (erf)  }
0xda: {  	v1 =	vadd.f32 v2, v1  }
0xdb: {  	v2 =	vpop (erf)  }
0xdc: {  	v1 =	vadd.f32 v2, v1  }
0xdd: {  	v2 =	vpop (erf)  }
0xde: {  	v1 =	vadd.f32 v2, v1  }
0xdf: {  	v2 =	vpop (erf)  }
0xe0: {  	v1 =	vadd.f32 v2, v1  }
0xe1: {  	v2 =	vpop (erf)  }
0xe2: {  	v1 =	vadd.f32 v2, v1;
	_ =	sdelay $0x1  }
0xe3: {  	(xrf2) =	vadd.scan.msk.f32 $0xffff, v1;
	_ =	sdelay $0x9  }
0xe4: {  	v1, _, _ =	vpop (xrf2)  }
0xe5: {  	v1 =	vbroadcast v1, $0xF;
	_ =	sdelay $0x1  }
0xe6: {  	v2 =	vcvt.s32.f32 v1;
	_ =	sdelay $0x1  }
0xe7: {  	v2 =	vmul.f32 $1.192092900e-07, v2;
	_ =	sdelay $0x1  }
0xe8: {  	v2 =	vadd.f32 $-1.269569930e+02, v2;
	_ =	sdelay $0x1  }
0xe9: {  	v2 =	vmul.f32 $6.931471820e-01, v2;
	_ =	sdelay $0x1  }
0xea: {  	v3 =	vsub.f32 $0.0e+00, v2;
	_ =	sdelay $0x1  }
0xeb: {  	v3 =	vmul.f32 $1.442695020e+00, v3;
	_ =	sdelay $0x1  }
0xec: {  	(erf) = vpow2.f32 v3;
	_ =	sdelay $0x8  }
0xed: {  	v3 =	vpop (erf)  }
0xee: {  	v3 =	vmul.f32 v3, v1;
	_ =	sdelay $0x1  }
0xef: {  	v2 =	vadd.f32 v3, v2;
	_ =	sdelay $0x1  }
0xf0: {  	v2 =	vadd.f32 $-1.000000000e+00, v2;
	_ =	sdelay $0x1  }
0xf1: {  	v3 =	vsub.f32 $0.0e+00, v2;
	_ =	sdelay $0x1  }
0xf2: {  	v3 =	vmul.f32 $1.442695020e+00, v3;
	_ =	sdelay $0x1  }
0xf3: {  	(erf) = vpow2.f32 v3;
	_ =	sdelay $0x8  }
0xf4: {  	v3 =	vpop (erf)  }
0xf5: {  	v3 =	vmul.f32 v3, v1;
	_ =	sdelay $0x1  }
0xf6: {  	v2 =	vadd.f32 v3, v2;
	_ =	sdelay $0x1  }
0xf7: {  	v2 =	vadd.f32 $-1.000000000e+00, v2;
	_ =	sdelay $0x1  }
0xf8: {  	v3 =	vsub.f32 $0.0e+00, v2;
	_ =	sdelay $0x1  }
0xf9: {  	v3 =	vmul.f32 $1.442695020e+00, v3;
	_ =	sdelay $0x1  }
0xfa: {  	(erf) = vpow2.f32 v3;
	_ =	sdelay $0x8  }
0xfb: {  	v3 =	vpop (erf)  }
0xfc: {  	v3 =	vmul.f32 v3, v1;
	_ =	sdelay $0x1  }
0xfd: {  	v2 =	vadd.f32 v3, v2;
	_ =	sdelay $0x1  }
0xfe: {  	v2 =	vadd.f32 $-1.000000000e+00, v2;
	_ =	sdelay $0x1  }
0xff: {  	v3 =	vsub.f32 $0.0e+00, v2;
	_ =	sdelay $0x1  }
0x100: {  	v3 =	vmul.f32 $1.442695020e+00, v3;
	_ =	sdelay $0x1  }
0x101: {  	(erf) = vpow2.f32 v3;
	_ =	sdelay $0x8  }
0x102: {  	v3 =	vpop (erf)  }
0x103: {  	v1 =	vmul.f32 v3, v1;
	_ =	sdelay $0x1  }
0x104: {  	s17 =	simm.s32 $0x20;
	v1 =	vadd.f32 v1, v2  }
0x105: {  	v2 =	vld [tilespmem:s17+$0xFFFFFFE0]  }
0x106: {  	v1 =	vadd.f32 $-1.000000000e+00, v1  }
0x107: {  	v3 =	vld [tilespmem:s17+$0x0]  }
0x108: {  	v5 =	vld [tilespmem:s17+$0x10];
	v0 =	vadd.f32 v1, v0  }
0x109: {  	v1 =	vld [tilespmem:s17+$0x20]  }
0x10a: {  	v6 =	vsub.f32 v2, v0;
	v2 =	vld [tilespmem:s17+$0xFFFFFFF0];
	_ =	sdelay $0x1  }
0x10b: {  	v4 =	vsub.f32 v3, v0  }
0x10c: {  	s18 =	simm.s32 $0x0;
	s19 =	simm.s32 $0x70;
	v3 =	vsub.f32 v5, v0;
	[tilespmem:s17+$0xFFFFFFE0] =	vst v6  }
.LBB2_12:
0x10d: {  	v5 =	vld [tilespmem:s19+$0xFFFFFFE0];
	[tilespmem:s17+$0x0] =	vst v4;
	v1 =	vsub.f32 v1, v0  }
0x10e: {  	s18 =	sadd.s32 $0x5, s18;
	v4 =	vld [tilespmem:s19+$0x0];
	v2 =	vsub.f32 v2, v0;
	[tilespmem:s17+$0x10] =	vst v3  }
0x10f: {  	p0 =	slt.u32 s18, $0x1865;
	v3 =	vld [tilespmem:s19+$0x10];
	[tilespmem:s17+$0x20] =	vst v1  }
.Ltmp5:
0x110: {  	v1 =	vld [tilespmem:s19+$0x20];
	[tilespmem:s17+$0xFFFFFFF0] =	vst v2;
	s17 =	smov.u32 s19;
	(pc) =	sbr.rel @p0 .LBB2_12-.Ltmp5, $4  }
0x111: {  	v2 =	vld [tilespmem:s19+$0xFFFFFFF0]  }
0x112: {  	v5 =	vsub.f32 v5, v0  }
0x113: {  	v4 =	vsub.f32 v4, v0  }
0x114: {  	s19 =	sadd.s32 $0x50, s19;
	[tilespmem:s17+$0xFFFFFFE0] =	vst v5;
	v3 =	vsub.f32 v3, v0  }
0x115: {  	[tilespmem:s17+$0x0] =	vst v4;
	v1 =	vsub.f32 v1, v0  }
0x116: {  	v0 =	vsub.f32 v2, v0;
	[tilespmem:s17+$0x10] =	vst v3  }
0x117: {  	[tilespmem:s17+$0x20] =	vst v1  }
0x118: {  	[tilespmem:s17+$0xFFFFFFF0] =	vst v0  }
0x119: {  	[hbm4b:s6+s12] =	stream.strided.scatter [tilespmem:s2], [sflag:$0x2], $0x18700, s13, s12, $0x38;
	[tilespmem:$0x18700] =	vst v63  }
0x11a: {  	_ =	swait.ge [sflag:s15], $0x18700  }
0x11b: {  	[sflag:s15] =	ssyncset.done $0x0  }
0x11c: {  	[sflag:s15] =	ssyncadd.s32 $0xFFFE7900  }
0x11d: {  	[tilespmem:s2], [sflag:$0x1] =	stream.strided.gather [hbm4b:s7+s12], $0x18700, s13, s12, $0x38;
	[tilespmem:$0x18700] =	vst v63  }
0x11e: {  	_ =	swait.ge [sflag:s14], $0x18700  }
0x11f: {  	[sflag:s14] =	ssyncset.done $0x0  }
0x120: {  	s18 =	simm.s32 $0x20;
	[sflag:s14] =	ssyncadd.s32 $0xFFFE7900  }
0x121: {  	v1 =	vld [tilespmem:s18+$0xFFFFFFE0]  }
0x122: {  	v3 =	vld [tilespmem:s18+$0xFFFFFFF0]  }
0x123: {  	v4 =	vld [tilespmem:s18+$0x0]  }
0x124: {  	s17 =	simm.s32 $0x70;
	v5 =	vld [tilespmem:s18+$0x10]  }
0x125: {  	v6 =	vimm.f32 $-Inf;
	v0 =	vld [tilespmem:s17+$0x10]  }
0x126: {  	v2 =	vld [tilespmem:s18+$0x20];
	v6 =	vmax.f32 v6, v1  }
0x127: {  	v1 =	vld [tilespmem:s17+$0xFFFFFFE0];
	v6 =	vmax.f32 v6, v3  }
0x128: {  	v3 =	vld [tilespmem:s17+$0xFFFFFFF0];
	v6 =	vmax.f32 v6, v4  }
0x129: {  	s19 =	simm.s32 $0xC0;
	s18 =	simm.s32 $0x5;
	v4 =	vld [tilespmem:s17+$0x0];
	v5 =	vmax.f32 v6, v5  }
.LBB2_14:
0x12a: {  	s18 =	sadd.s32 $0x5, s18  }
0x12b: {  	v6 =	vld [tilespmem:s19+$0x10];
	v5 =	vmax.f32 v5, v2;
	p0 =	slt.u32 s18, $0x1865  }
.Ltmp6:
0x12c: {  	v2 =	vld [tilespmem:s17+$0x20];
	s17 =	smov.u32 s19;
	(pc) =	sbr.rel @p0 .LBB2_14-.Ltmp6, $4  }
0x12d: {  	v5 =	vmax.f32 v5, v1  }
0x12e: {  	v1 =	vld [tilespmem:s19+$0xFFFFFFE0];
	v5 =	vmax.f32 v5, v3  }
0x12f: {  	v3 =	vld [tilespmem:s19+$0xFFFFFFF0];
	v5 =	vmax.f32 v5, v4  }
0x130: {  	s19 =	sadd.s32 $0x50, s19;
	v4 =	vld [tilespmem:s17+$0x0];
	v5 =	vmax.f32 v5, v0;
	v0 =	vmov v6  }
0x131: {  	_ = 	snop  }
0x132: {  	v2 =	vmax.f32 v5, v2;
	v5 =	vld [tilespmem:s17+$0x20]  }
0x133: {  	v1 =	vmax.f32 v2, v1  }
0x134: {  	v1 =	vmax.f32 v1, v3  }
0x135: {  	v1 =	vmax.f32 v1, v4  }
0x136: {  	v0 =	vmax.f32 v1, v0  }
0x137: {  	v0 =	vmax.f32 v0, v5  }
0x138: {  	(xrf0) =	vmax.scan.msk.f32 $0xffff, v0;
	_ =	sdelay $0x2  }
0x139: {  	s31 =	simm.s32 $0x20  }
0x13a: {  	v1 =	vld [tilespmem:s31+$0xFFFFFFE0];
	_ =	sdelay $0x1  }
0x13b: {  	v0, _, _ =	vpop (xrf0)  }
0x13c: {  	v0 =	vbroadcast v0, $0xF  }
0x13d: {  	v2 =	vld [tilespmem:s31+$0xFFFFFFF0]  }
0x13e: {  	v1 =	vsub.f32 v1, v0  }
0x13f: {  	v3 =	vld [tilespmem:s31+$0x0]  }
0x140: {  	v1 =	vmul.f32 $1.442695020e+00, v1  }
0x141: {  	v4 =	vld [tilespmem:s31+$0x10]  }
0x142: {  	(erf) = vpow2.f32 v1;
	v1 =	vsub.f32 v2, v0  }
0x143: {  	v5 =	vld [tilespmem:s31+$0x20]  }
0x144: {  	s18 =	simm.s32 $0x70;
	v3 =	vsub.f32 v3, v0;
	v1 =	vmul.f32 $1.442695020e+00, v1  }
0x145: {  	v2 =	vld [tilespmem:s18+$0xFFFFFFE0]  }
0x146: {  	v4 =	vsub.f32 v4, v0;
	v3 =	vmul.f32 $1.442695020e+00, v3;
	(erf) = vpow2.f32 v1  }
0x147: {  	v6 =	vld [tilespmem:s18+$0xFFFFFFF0]  }
0x148: {  	v7 =	vld [tilespmem:s18+$0x0];
	v5 =	vsub.f32 v5, v0;
	v8 =	vmul.f32 $1.442695020e+00, v4;
	(erf) = vpow2.f32 v3;
	_ =	sdelay $0x1  }
0x149: {  	v1 =	vld [tilespmem:s18+$0x10];
	v2 =	vsub.f32 v2, v0;
	v3 =	vmul.f32 $1.442695020e+00, v5;
	(erf) = vpow2.f32 v8;
	_ =	sdelay $0x1  }
0x14a: {  	v5 =	vsub.f32 v6, v0;
	v6 =	vmul.f32 $1.442695020e+00, v2;
	v2 =	vld [tilespmem:s18+$0x20];
	(erf) = vpow2.f32 v3  }
0x14b: {  	s17 =	simm.s32 $0x5;
	v4 =	vimm.f32 $0.0e+00;
	v3 =	vsub.f32 v7, v0;
	s18 =	simm.s32 $0xC0;
	v7 =	vpop (erf)  }
.LBB2_16:
0x14c: {  	v8 =	vld [tilespmem:s18+$0xFFFFFFE0];
	v9 =	vmul.f32 $1.442695020e+00, v5;
	(erf) = vpow2.f32 v6;
	v4 =	vadd.f32 v7, v4  }
0x14d: {  	s17 =	sadd.s32 $0x5, s17;
	v1 =	vsub.f32 v1, v0;
	v6 =	vpop (erf)  }
0x14e: {  	p0 =	slt.u32 s17, $0x1865;
	v3 =	vmul.f32 $1.442695020e+00, v3;
	v7 =	vld [tilespmem:s18+$0xFFFFFFF0];
	(erf) = vpow2.f32 v9;
	v4 =	vadd.f32 v6, v4  }
0x14f: {  	v2 =	vsub.f32 v2, v0;
	v5 =	vpop (erf)  }
0x150: {  	v6 =	vmul.f32 $1.442695020e+00, v1;
	v9 =	vld [tilespmem:s18+$0x0];
	(erf) = vpow2.f32 v3;
	v3 =	vadd.f32 v5, v4  }
.Ltmp7:
0x151: {  	v4 =	vsub.f32 v8, v0;
	v5 =	vpop (erf);
	(pc) =	sbr.rel @p0 .LBB2_16-.Ltmp7, $4  }
0x152: {  	v8 =	vmul.f32 $1.442695020e+00, v2;
	v1 =	vld [tilespmem:s18+$0x10];
	(erf) = vpow2.f32 v6;
	v3 =	vadd.f32 v5, v3  }
0x153: {  	v5 =	vsub.f32 v7, v0;
	v7 =	vpop (erf)  }
0x154: {  	v6 =	vmul.f32 $1.442695020e+00, v4;
	v2 =	vld [tilespmem:s18+$0x20];
	(erf) = vpow2.f32 v8;
	v4 =	vadd.f32 v7, v3  }
0x155: {  	s18 =	sadd.s32 $0x50, s18;
	v3 =	vsub.f32 v9, v0;
	v7 =	vpop (erf)  }
0x156: {  	v5 =	vmul.f32 $1.442695020e+00, v5  }
0x157: {  	v4 =	vadd.f32 v7, v4  }
0x158: {  	(erf) = vpow2.f32 v6;
	v6 =	vpop (erf)  }
0x159: {  	v3 =	vmul.f32 $1.442695020e+00, v3;
	v4 =	vadd.f32 v6, v4  }
0x15a: {  	v1 =	vsub.f32 v1, v0;
	(erf) = vpow2.f32 v5;
	v5 =	vpop (erf)  }
0x15b: {  	v2 =	vsub.f32 v2, v0;
	(erf) = vpow2.f32 v3;
	v3 =	vadd.f32 v5, v4  }
0x15c: {  	v1 =	vmul.f32 $1.442695020e+00, v1  }
0x15d: {  	v2 =	vmul.f32 $1.442695020e+00, v2;
	v4 =	vpop (erf)  }
0x15e: {  	(erf) = vpow2.f32 v1;
	v1 =	vadd.f32 v4, v3  }
0x15f: {  	v3 =	vpop (erf)  }
0x160: {  	(erf) = vpow2.f32 v2;
	v1 =	vadd.f32 v3, v1  }
0x161: {  	v2 =	vpop (erf)  }
0x162: {  	v1 =	vadd.f32 v2, v1  }
0x163: {  	v2 =	vpop (erf)  }
0x164: {  	v1 =	vadd.f32 v2, v1  }
0x165: {  	v2 =	vpop (erf)  }
0x166: {  	v1 =	vadd.f32 v2, v1  }
0x167: {  	v2 =	vpop (erf)  }
0x168: {  	v1 =	vadd.f32 v2, v1  }
0x169: {  	v2 =	vpop (erf)  }
0x16a: {  	v1 =	vadd.f32 v2, v1;
	_ =	sdelay $0x1  }
0x16b: {  	(xrf2) =	vadd.scan.msk.f32 $0xffff, v1;
	_ =	sdelay $0x9  }
0x16c: {  	v1, _, _ =	vpop (xrf2)  }
0x16d: {  	v1 =	vbroadcast v1, $0xF;
	_ =	sdelay $0x1  }
0x16e: {  	v2 =	vcvt.s32.f32 v1;
	_ =	sdelay $0x1  }
0x16f: {  	v2 =	vmul.f32 $1.192092900e-07, v2;
	_ =	sdelay $0x1  }
0x170: {  	v2 =	vadd.f32 $-1.269569930e+02, v2;
	_ =	sdelay $0x1  }
0x171: {  	v2 =	vmul.f32 $6.931471820e-01, v2;
	_ =	sdelay $0x1  }
0x172: {  	v3 =	vsub.f32 $0.0e+00, v2;
	_ =	sdelay $0x1  }
0x173: {  	v3 =	vmul.f32 $1.442695020e+00, v3;
	_ =	sdelay $0x1  }
0x174: {  	(erf) = vpow2.f32 v3;
	_ =	sdelay $0x8  }
0x175: {  	v3 =	vpop (erf)  }
0x176: {  	v3 =	vmul.f32 v3, v1;
	_ =	sdelay $0x1  }
0x177: {  	v2 =	vadd.f32 v3, v2;
	_ =	sdelay $0x1  }
0x178: {  	v2 =	vadd.f32 $-1.000000000e+00, v2;
	_ =	sdelay $0x1  }
0x179: {  	v3 =	vsub.f32 $0.0e+00, v2;
	_ =	sdelay $0x1  }
0x17a: {  	v3 =	vmul.f32 $1.442695020e+00, v3;
	_ =	sdelay $0x1  }
0x17b: {  	(erf) = vpow2.f32 v3;
	_ =	sdelay $0x8  }
0x17c: {  	v3 =	vpop (erf)  }
0x17d: {  	v3 =	vmul.f32 v3, v1;
	_ =	sdelay $0x1  }
0x17e: {  	v2 =	vadd.f32 v3, v2;
	_ =	sdelay $0x1  }
0x17f: {  	v2 =	vadd.f32 $-1.000000000e+00, v2;
	_ =	sdelay $0x1  }
0x180: {  	v3 =	vsub.f32 $0.0e+00, v2;
	_ =	sdelay $0x1  }
0x181: {  	v3 =	vmul.f32 $1.442695020e+00, v3;
	_ =	sdelay $0x1  }
0x182: {  	(erf) = vpow2.f32 v3;
	_ =	sdelay $0x8  }
0x183: {  	v3 =	vpop (erf)  }
0x184: {  	v3 =	vmul.f32 v3, v1;
	_ =	sdelay $0x1  }
0x185: {  	v2 =	vadd.f32 v3, v2;
	_ =	sdelay $0x1  }
0x186: {  	v2 =	vadd.f32 $-1.000000000e+00, v2;
	_ =	sdelay $0x1  }
0x187: {  	v3 =	vsub.f32 $0.0e+00, v2;
	_ =	sdelay $0x1  }
0x188: {  	v3 =	vmul.f32 $1.442695020e+00, v3;
	_ =	sdelay $0x1  }
0x189: {  	(erf) = vpow2.f32 v3;
	_ =	sdelay $0x8  }
0x18a: {  	v3 =	vpop (erf)  }
0x18b: {  	v1 =	vmul.f32 v3, v1;
	_ =	sdelay $0x1  }
0x18c: {  	s17 =	simm.s32 $0x20;
	v1 =	vadd.f32 v1, v2  }
0x18d: {  	v2 =	vld [tilespmem:s17+$0xFFFFFFE0]  }
0x18e: {  	v1 =	vadd.f32 $-1.000000000e+00, v1  }
0x18f: {  	v3 =	vld [tilespmem:s17+$0x0]  }
0x190: {  	v5 =	vld [tilespmem:s17+$0x10];
	v0 =	vadd.f32 v1, v0  }
0x191: {  	v1 =	vld [tilespmem:s17+$0x20]  }
0x192: {  	v6 =	vsub.f32 v2, v0;
	v2 =	vld [tilespmem:s17+$0xFFFFFFF0];
	_ =	sdelay $0x1  }
0x193: {  	v4 =	vsub.f32 v3, v0  }
0x194: {  	s18 =	simm.s32 $0x0;
	s19 =	simm.s32 $0x70;
	v3 =	vsub.f32 v5, v0;
	[tilespmem:s17+$0xFFFFFFE0] =	vst v6  }
.LBB2_18:
0x195: {  	v5 =	vld [tilespmem:s19+$0xFFFFFFE0];
	[tilespmem:s17+$0x0] =	vst v4;
	v1 =	vsub.f32 v1, v0  }
0x196: {  	s18 =	sadd.s32 $0x5, s18;
	v4 =	vld [tilespmem:s19+$0x0];
	v2 =	vsub.f32 v2, v0;
	[tilespmem:s17+$0x10] =	vst v3  }
0x197: {  	p0 =	slt.u32 s18, $0x1865;
	v3 =	vld [tilespmem:s19+$0x10];
	[tilespmem:s17+$0x20] =	vst v1  }
.Ltmp8:
0x198: {  	v1 =	vld [tilespmem:s19+$0x20];
	[tilespmem:s17+$0xFFFFFFF0] =	vst v2;
	s17 =	smov.u32 s19;
	(pc) =	sbr.rel @p0 .LBB2_18-.Ltmp8, $4  }
0x199: {  	v2 =	vld [tilespmem:s19+$0xFFFFFFF0]  }
0x19a: {  	v5 =	vsub.f32 v5, v0  }
0x19b: {  	v4 =	vsub.f32 v4, v0  }
0x19c: {  	s19 =	sadd.s32 $0x50, s19;
	[tilespmem:s17+$0xFFFFFFE0] =	vst v5;
	v3 =	vsub.f32 v3, v0  }
0x19d: {  	[tilespmem:s17+$0x0] =	vst v4;
	v1 =	vsub.f32 v1, v0  }
0x19e: {  	v0 =	vsub.f32 v2, v0;
	[tilespmem:s17+$0x10] =	vst v3  }
0x19f: {  	[tilespmem:s17+$0x20] =	vst v1  }
0x1a0: {  	[tilespmem:s17+$0xFFFFFFF0] =	vst v0  }
0x1a1: {  	[hbm4b:s8+s12] =	stream.strided.scatter [tilespmem:s2], [sflag:$0x2], $0x18700, s13, s12, $0x38;
	[tilespmem:$0x18700] =	vst v63  }
0x1a2: {  	_ =	swait.ge [sflag:s15], $0x18700  }
0x1a3: {  	[sflag:s15] =	ssyncset.done $0x0  }
0x1a4: {  	[sflag:s15] =	ssyncadd.s32 $0xFFFE7900  }
0x1a5: {  	[tilespmem:s2], [sflag:$0x1] =	stream.strided.gather [hbm4b:s9+s12], $0x18700, s13, s12, $0x38;
	[tilespmem:$0x18700] =	vst v63  }
0x1a6: {  	_ =	swait.ge [sflag:s14], $0x18700  }
0x1a7: {  	[sflag:s14] =	ssyncset.done $0x0  }
0x1a8: {  	s18 =	simm.s32 $0x20;
	[sflag:s14] =	ssyncadd.s32 $0xFFFE7900  }
0x1a9: {  	v1 =	vld [tilespmem:s18+$0xFFFFFFE0]  }
0x1aa: {  	v3 =	vld [tilespmem:s18+$0xFFFFFFF0]  }
0x1ab: {  	v4 =	vld [tilespmem:s18+$0x0]  }
0x1ac: {  	s17 =	simm.s32 $0x70;
	v5 =	vld [tilespmem:s18+$0x10]  }
0x1ad: {  	v6 =	vimm.f32 $-Inf;
	v0 =	vld [tilespmem:s17+$0x10]  }
0x1ae: {  	v2 =	vld [tilespmem:s18+$0x20];
	v6 =	vmax.f32 v6, v1  }
0x1af: {  	v1 =	vld [tilespmem:s17+$0xFFFFFFE0];
	v6 =	vmax.f32 v6, v3  }
0x1b0: {  	v3 =	vld [tilespmem:s17+$0xFFFFFFF0];
	v6 =	vmax.f32 v6, v4  }
0x1b1: {  	s19 =	simm.s32 $0xC0;
	s18 =	simm.s32 $0x5;
	v4 =	vld [tilespmem:s17+$0x0];
	v5 =	vmax.f32 v6, v5  }
.LBB2_20:
0x1b2: {  	s18 =	sadd.s32 $0x5, s18  }
0x1b3: {  	v6 =	vld [tilespmem:s19+$0x10];
	v5 =	vmax.f32 v5, v2;
	p0 =	slt.u32 s18, $0x1865  }
.Ltmp9:
0x1b4: {  	v2 =	vld [tilespmem:s17+$0x20];
	s17 =	smov.u32 s19;
	(pc) =	sbr.rel @p0 .LBB2_20-.Ltmp9, $4  }
0x1b5: {  	v5 =	vmax.f32 v5, v1  }
0x1b6: {  	v1 =	vld [tilespmem:s19+$0xFFFFFFE0];
	v5 =	vmax.f32 v5, v3  }
0x1b7: {  	v3 =	vld [tilespmem:s19+$0xFFFFFFF0];
	v5 =	vmax.f32 v5, v4  }
0x1b8: {  	s19 =	sadd.s32 $0x50, s19;
	v4 =	vld [tilespmem:s17+$0x0];
	v5 =	vmax.f32 v5, v0;
	v0 =	vmov v6  }
0x1b9: {  	_ = 	snop  }
0x1ba: {  	v2 =	vmax.f32 v5, v2;
	v5 =	vld [tilespmem:s17+$0x20]  }
0x1bb: {  	v1 =	vmax.f32 v2, v1  }
0x1bc: {  	v1 =	vmax.f32 v1, v3  }
0x1bd: {  	v1 =	vmax.f32 v1, v4  }
0x1be: {  	v0 =	vmax.f32 v1, v0  }
0x1bf: {  	v0 =	vmax.f32 v0, v5  }
0x1c0: {  	(xrf0) =	vmax.scan.msk.f32 $0xffff, v0;
	_ =	sdelay $0x2  }
0x1c1: {  	s31 =	simm.s32 $0x20  }
0x1c2: {  	v1 =	vld [tilespmem:s31+$0xFFFFFFE0];
	_ =	sdelay $0x1  }
0x1c3: {  	v0, _, _ =	vpop (xrf0)  }
0x1c4: {  	v0 =	vbroadcast v0, $0xF  }
0x1c5: {  	v2 =	vld [tilespmem:s31+$0xFFFFFFF0]  }
0x1c6: {  	v1 =	vsub.f32 v1, v0  }
0x1c7: {  	v3 =	vld [tilespmem:s31+$0x0]  }
0x1c8: {  	v1 =	vmul.f32 $1.442695020e+00, v1  }
0x1c9: {  	v4 =	vld [tilespmem:s31+$0x10]  }
0x1ca: {  	(erf) = vpow2.f32 v1;
	v1 =	vsub.f32 v2, v0  }
0x1cb: {  	v5 =	vld [tilespmem:s31+$0x20]  }
0x1cc: {  	s18 =	simm.s32 $0x70;
	v3 =	vsub.f32 v3, v0;
	v1 =	vmul.f32 $1.442695020e+00, v1  }
0x1cd: {  	v2 =	vld [tilespmem:s18+$0xFFFFFFE0]  }
0x1ce: {  	v4 =	vsub.f32 v4, v0;
	v3 =	vmul.f32 $1.442695020e+00, v3;
	(erf) = vpow2.f32 v1  }
0x1cf: {  	v6 =	vld [tilespmem:s18+$0xFFFFFFF0]  }
0x1d0: {  	v7 =	vld [tilespmem:s18+$0x0];
	v5 =	vsub.f32 v5, v0;
	v8 =	vmul.f32 $1.442695020e+00, v4;
	(erf) = vpow2.f32 v3;
	_ =	sdelay $0x1  }
0x1d1: {  	v1 =	vld [tilespmem:s18+$0x10];
	v2 =	vsub.f32 v2, v0;
	v3 =	vmul.f32 $1.442695020e+00, v5;
	(erf) = vpow2.f32 v8;
	_ =	sdelay $0x1  }
0x1d2: {  	v5 =	vsub.f32 v6, v0;
	v6 =	vmul.f32 $1.442695020e+00, v2;
	v2 =	vld [tilespmem:s18+$0x20];
	(erf) = vpow2.f32 v3  }
0x1d3: {  	s17 =	simm.s32 $0x5;
	v4 =	vimm.f32 $0.0e+00;
	v3 =	vsub.f32 v7, v0;
	s18 =	simm.s32 $0xC0;
	v7 =	vpop (erf)  }
.LBB2_22:
0x1d4: {  	v8 =	vld [tilespmem:s18+$0xFFFFFFE0];
	v9 =	vmul.f32 $1.442695020e+00, v5;
	(erf) = vpow2.f32 v6;
	v4 =	vadd.f32 v7, v4  }
0x1d5: {  	s17 =	sadd.s32 $0x5, s17;
	v1 =	vsub.f32 v1, v0;
	v6 =	vpop (erf)  }
0x1d6: {  	p0 =	slt.u32 s17, $0x1865;
	v3 =	vmul.f32 $1.442695020e+00, v3;
	v7 =	vld [tilespmem:s18+$0xFFFFFFF0];
	(erf) = vpow2.f32 v9;
	v4 =	vadd.f32 v6, v4  }
0x1d7: {  	v2 =	vsub.f32 v2, v0;
	v5 =	vpop (erf)  }
0x1d8: {  	v6 =	vmul.f32 $1.442695020e+00, v1;
	v9 =	vld [tilespmem:s18+$0x0];
	(erf) = vpow2.f32 v3;
	v3 =	vadd.f32 v5, v4  }
.Ltmp10:
0x1d9: {  	v4 =	vsub.f32 v8, v0;
	v5 =	vpop (erf);
	(pc) =	sbr.rel @p0 .LBB2_22-.Ltmp10, $4  }
0x1da: {  	v8 =	vmul.f32 $1.442695020e+00, v2;
	v1 =	vld [tilespmem:s18+$0x10];
	(erf) = vpow2.f32 v6;
	v3 =	vadd.f32 v5, v3  }
0x1db: {  	v5 =	vsub.f32 v7, v0;
	v7 =	vpop (erf)  }
0x1dc: {  	v6 =	vmul.f32 $1.442695020e+00, v4;
	v2 =	vld [tilespmem:s18+$0x20];
	(erf) = vpow2.f32 v8;
	v4 =	vadd.f32 v7, v3  }
0x1dd: {  	s18 =	sadd.s32 $0x50, s18;
	v3 =	vsub.f32 v9, v0;
	v7 =	vpop (erf)  }
0x1de: {  	v5 =	vmul.f32 $1.442695020e+00, v5  }
0x1df: {  	v4 =	vadd.f32 v7, v4  }
0x1e0: {  	(erf) = vpow2.f32 v6;
	v6 =	vpop (erf)  }
0x1e1: {  	v3 =	vmul.f32 $1.442695020e+00, v3;
	v4 =	vadd.f32 v6, v4  }
0x1e2: {  	v1 =	vsub.f32 v1, v0;
	(erf) = vpow2.f32 v5;
	v5 =	vpop (erf)  }
0x1e3: {  	v2 =	vsub.f32 v2, v0;
	(erf) = vpow2.f32 v3;
	v3 =	vadd.f32 v5, v4  }
0x1e4: {  	v1 =	vmul.f32 $1.442695020e+00, v1  }
0x1e5: {  	v2 =	vmul.f32 $1.442695020e+00, v2;
	v4 =	vpop (erf)  }
0x1e6: {  	(erf) = vpow2.f32 v1;
	v1 =	vadd.f32 v4, v3  }
0x1e7: {  	v3 =	vpop (erf)  }
0x1e8: {  	(erf) = vpow2.f32 v2;
	v1 =	vadd.f32 v3, v1  }
0x1e9: {  	v2 =	vpop (erf)  }
0x1ea: {  	v1 =	vadd.f32 v2, v1  }
0x1eb: {  	v2 =	vpop (erf)  }
0x1ec: {  	v1 =	vadd.f32 v2, v1  }
0x1ed: {  	v2 =	vpop (erf)  }
0x1ee: {  	v1 =	vadd.f32 v2, v1  }
0x1ef: {  	v2 =	vpop (erf)  }
0x1f0: {  	v1 =	vadd.f32 v2, v1  }
0x1f1: {  	v2 =	vpop (erf)  }
0x1f2: {  	v1 =	vadd.f32 v2, v1;
	_ =	sdelay $0x1  }
0x1f3: {  	(xrf2) =	vadd.scan.msk.f32 $0xffff, v1;
	_ =	sdelay $0x9  }
0x1f4: {  	v1, _, _ =	vpop (xrf2)  }
0x1f5: {  	v1 =	vbroadcast v1, $0xF;
	_ =	sdelay $0x1  }
0x1f6: {  	v2 =	vcvt.s32.f32 v1;
	_ =	sdelay $0x1  }
0x1f7: {  	v2 =	vmul.f32 $1.192092900e-07, v2;
	_ =	sdelay $0x1  }
0x1f8: {  	v2 =	vadd.f32 $-1.269569930e+02, v2;
	_ =	sdelay $0x1  }
0x1f9: {  	v2 =	vmul.f32 $6.931471820e-01, v2;
	_ =	sdelay $0x1  }
0x1fa: {  	v3 =	vsub.f32 $0.0e+00, v2;
	_ =	sdelay $0x1  }
0x1fb: {  	v3 =	vmul.f32 $1.442695020e+00, v3;
	_ =	sdelay $0x1  }
0x1fc: {  	(erf) = vpow2.f32 v3;
	_ =	sdelay $0x8  }
0x1fd: {  	v3 =	vpop (erf)  }
0x1fe: {  	v3 =	vmul.f32 v3, v1;
	_ =	sdelay $0x1  }
0x1ff: {  	v2 =	vadd.f32 v3, v2;
	_ =	sdelay $0x1  }
0x200: {  	v2 =	vadd.f32 $-1.000000000e+00, v2;
	_ =	sdelay $0x1  }
0x201: {  	v3 =	vsub.f32 $0.0e+00, v2;
	_ =	sdelay $0x1  }
0x202: {  	v3 =	vmul.f32 $1.442695020e+00, v3;
	_ =	sdelay $0x1  }
0x203: {  	(erf) = vpow2.f32 v3;
	_ =	sdelay $0x8  }
0x204: {  	v3 =	vpop (erf)  }
0x205: {  	v3 =	vmul.f32 v3, v1;
	_ =	sdelay $0x1  }
0x206: {  	v2 =	vadd.f32 v3, v2;
	_ =	sdelay $0x1  }
0x207: {  	v2 =	vadd.f32 $-1.000000000e+00, v2;
	_ =	sdelay $0x1  }
0x208: {  	v3 =	vsub.f32 $0.0e+00, v2;
	_ =	sdelay $0x1  }
0x209: {  	v3 =	vmul.f32 $1.442695020e+00, v3;
	_ =	sdelay $0x1  }
0x20a: {  	(erf) = vpow2.f32 v3;
	_ =	sdelay $0x8  }
0x20b: {  	v3 =	vpop (erf)  }
0x20c: {  	v3 =	vmul.f32 v3, v1;
	_ =	sdelay $0x1  }
0x20d: {  	v2 =	vadd.f32 v3, v2;
	_ =	sdelay $0x1  }
0x20e: {  	v2 =	vadd.f32 $-1.000000000e+00, v2;
	_ =	sdelay $0x1  }
0x20f: {  	v3 =	vsub.f32 $0.0e+00, v2;
	_ =	sdelay $0x1  }
0x210: {  	v3 =	vmul.f32 $1.442695020e+00, v3;
	_ =	sdelay $0x1  }
0x211: {  	(erf) = vpow2.f32 v3;
	_ =	sdelay $0x8  }
0x212: {  	v3 =	vpop (erf)  }
0x213: {  	v1 =	vmul.f32 v3, v1;
	_ =	sdelay $0x1  }
0x214: {  	s17 =	simm.s32 $0x20;
	v1 =	vadd.f32 v1, v2  }
0x215: {  	v2 =	vld [tilespmem:s17+$0xFFFFFFE0]  }
0x216: {  	v1 =	vadd.f32 $-1.000000000e+00, v1  }
0x217: {  	v3 =	vld [tilespmem:s17+$0x0]  }
0x218: {  	v5 =	vld [tilespmem:s17+$0x10];
	v0 =	vadd.f32 v1, v0  }
0x219: {  	v1 =	vld [tilespmem:s17+$0x20]  }
0x21a: {  	v6 =	vsub.f32 v2, v0;
	v2 =	vld [tilespmem:s17+$0xFFFFFFF0];
	_ =	sdelay $0x1  }
0x21b: {  	v4 =	vsub.f32 v3, v0  }
0x21c: {  	s18 =	simm.s32 $0x0;
	s19 =	simm.s32 $0x70;
	v3 =	vsub.f32 v5, v0;
	[tilespmem:s17+$0xFFFFFFE0] =	vst v6  }
.LBB2_24:
0x21d: {  	v5 =	vld [tilespmem:s19+$0xFFFFFFE0];
	[tilespmem:s17+$0x0] =	vst v4;
	v1 =	vsub.f32 v1, v0  }
0x21e: {  	s18 =	sadd.s32 $0x5, s18;
	v4 =	vld [tilespmem:s19+$0x0];
	v2 =	vsub.f32 v2, v0;
	[tilespmem:s17+$0x10] =	vst v3  }
0x21f: {  	p0 =	slt.u32 s18, $0x1865;
	v3 =	vld [tilespmem:s19+$0x10];
	[tilespmem:s17+$0x20] =	vst v1  }
.Ltmp11:
0x220: {  	v1 =	vld [tilespmem:s19+$0x20];
	[tilespmem:s17+$0xFFFFFFF0] =	vst v2;
	s17 =	smov.u32 s19;
	(pc) =	sbr.rel @p0 .LBB2_24-.Ltmp11, $4  }
0x221: {  	v2 =	vld [tilespmem:s19+$0xFFFFFFF0]  }
0x222: {  	v5 =	vsub.f32 v5, v0  }
0x223: {  	v4 =	vsub.f32 v4, v0  }
0x224: {  	s19 =	sadd.s32 $0x50, s19;
	[tilespmem:s17+$0xFFFFFFE0] =	vst v5;
	v3 =	vsub.f32 v3, v0  }
0x225: {  	[tilespmem:s17+$0x0] =	vst v4;
	v1 =	vsub.f32 v1, v0  }
0x226: {  	s16 =	sadd.s32 $0x1, s16;
	v63 =	vsub.f32 v2, v0;
	[tilespmem:s17+$0x10] =	vst v3  }
0x227: {  	p0 =	sne.s32 s16, s11;
	[tilespmem:s17+$0x20] =	vst v1  }
.Ltmp12:
0x228: {  	[tilespmem:s17+$0xFFFFFFF0] =	vst v63;
	(pc) =	sbr.rel @p0 .LBB2_1-.Ltmp12, $4  }
0x229: {  	[hbm4b:s10+s12] =	stream.strided.scatter [tilespmem:s2], [sflag:$0x2], $0x18700, s13, s12, $0x38;
	[tilespmem:$0x18700] =	vst v63  }
0x22a: {  	_ =	swait.ge [sflag:s15], $0x18700  }
0x22b: {  	[sflag:s15] =	ssyncset.done $0x0  }
0x22c: {  	[sflag:s15] =	ssyncadd.s32 $0xFFFE7900  }
0x22d: {  	_ =	sfence.sel $0x180000  }
0x22e: {  	[bflag:$0x0] =	sbarrier.arrive $0xFFFF  }
0x22f: {  	p0 =	sne.s32 s1, $0x0;
	_ =	strace $0x90000047  }
0x230: {  	s0 =	sadd.s32 @!p0 $0x100000, s0;
	[bflag:$0x2] =	sbarrier.arrive $0xFFFF  }
0x231: {  	[sflag:s0] =	ssyncadd.tile.s32 @!p0 $0x1;
	_ =	shalt  }
.Lfunc_end2:
_tile_overlayer_lowered:
.L_overlay_start_2:
0x232: {  	(tag) =	ssettag $0x2  }
0x233: {  	s0 =	rddreg [dreg:$0x0];
	s2 =	stileid.u32  }
0x234: {  	s1 =	rddreg [dreg:$0x1];
	p0 =	sne.s32 s2, $0x0  }
0x235: {  	s3 =	rddreg [dreg:$0x2];
	[bflag:$0x3] =	sbarrier.arrive $0xFFFF;
	s2 =	simm.s32 @!p0 $0x1C03  }
0x236: {  	[timem:s3], [sflag:s2] =	dma.local @!p0 [hbm:s0], s1  }
0x237: {  	s0 =	simm.s32 @!p0 $0x3  }
0x238: {  	_ =	swait.ge @!p0 [sflag:s0], s1  }
0x239: {  	s1 =	ssub.s32 @!p0 $0x0, s1;
	[sflag:s0] =	ssyncset.done @!p0 $0x0  }
0x23a: {  	[sflag:s0] =	ssyncadd.s32 @!p0 s1  }
0x23b: {  	[bflag:$0x3] =	sbarrier.arrive $0xFFFF  }
0x23c: {  	_ =	shalt  }

</sc_bundles>
